<compile_context>
chip_gen: v7x
topology: tpu7x:2x2x1
jax: 0.10.2.dev20260603
libtpu: 0.0.44.dev20260713+nightly
codegen_flags: <defaults>
</compile_context>

<pallas_src>
import jax
import jax.numpy as jnp
from jax import lax
from jax.experimental import pallas as pl
from jax.experimental.pallas import tpu as pltpu
from jax.experimental.pallas import tpu_sc as plsc

_N = 10000
_E = 320000
_D = 128
_H = 64
_G = 64
_C = 2

_NCORES = 2
_NSUB = 16
_NTILES = _NCORES * _NSUB
_CH = 128
_NCH = 79
_EPT = _CH * _NCH
_EPAD = _NTILES * _EPT
_DUMMY = 10100
_NPAD = 10240
_RPT = _NPAD // _NSUB
_RCH = 128
_NRC = _RPT // _RCH

_BLK = 2000
_NBLK = _N // _BLK


def _sc_agg_body(p_hbm, src_hbm, dst_hbm, q_hbm,
                 src_v, dst_v, rows_v, buf_v, acc_sh, sem):
    c = lax.axis_index("c")
    s = lax.axis_index("s")
    wid = c * _NSUB + s

    def _zfill(k, carry):
        buf_v[k // 4, pl.ds((k % 4) * 16, 16)] = jnp.zeros((16,), jnp.float32)
        return carry
    lax.fori_loop(0, _RCH * 4, _zfill, 0)

    def _zcopy(r, carry):
        pltpu.sync_copy(buf_v, acc_sh.at[pl.ds(s * _RPT + r * _RCH, _RCH)])
        return carry
    lax.fori_loop(0, _NRC, _zcopy, 0)
    plsc.subcore_barrier()

    pltpu.sync_copy(src_hbm.at[wid], src_v)
    pltpu.sync_copy(dst_hbm.at[wid], dst_v)

    for k in range(3):
        pltpu.async_copy(p_hbm.at[src_v.at[k]], rows_v.at[k], sem.at[k])

    def _edges(j, carry):
        b = lax.rem(j, 4)

        @pl.when(j + 3 < _NCH)
        def _():
            nb = lax.rem(j + 3, 4)
            pltpu.async_copy(p_hbm.at[src_v.at[j + 3]], rows_v.at[nb],
                             sem.at[nb])

        pltpu.make_async_copy(p_hbm.at[src_v.at[j]], rows_v.at[b],
                              sem.at[b]).wait()
        pltpu.sync_copy(rows_v.at[b], acc_sh.at[dst_v.at[j]], add=True)
        return carry
    lax.fori_loop(0, _NCH, _edges, 0)
    plsc.subcore_barrier()

    def _wb(r, carry):
        r0 = s * _RPT + r * _RCH
        pltpu.sync_copy(acc_sh.at[pl.ds(r0, _RCH)], buf_v)
        pltpu.sync_copy(buf_v, q_hbm.at[c, pl.ds(r0, _RCH)])
        return carry
    lax.fori_loop(0, _NRC, _wb, 0)


_sc_agg = pl.kernel(
    _sc_agg_body,
    out_type=jax.ShapeDtypeStruct((_NCORES, _NPAD, _H), jnp.float32),
    mesh=plsc.VectorSubcoreMesh(core_axis_name="c", subcore_axis_name="s"),
    scratch_types=[
        pltpu.VMEM((_NCH, _CH), jnp.int32),
        pltpu.VMEM((_NCH, _CH), jnp.int32),
        pltpu.VMEM((4, _CH, _H), jnp.float32),
        pltpu.VMEM((_RCH, _H), jnp.float32),
        pltpu.VMEM_SHARED((_NPAD, _H), jnp.float32),
        pltpu.SemaphoreType.DMA((4,)),
    ],
    compiler_params=pltpu.CompilerParams(use_tc_tiling_on_sc=False),
)


def _k0_body(x_ref, w_ref, o_ref):
    o_ref[...] = jnp.dot(x_ref[...], w_ref[...],
                         preferred_element_type=jnp.float32)


_k0 = pl.pallas_call(
    _k0_body,
    grid=(_NBLK,),
    in_specs=[
        pl.BlockSpec((_BLK, _D), lambda i: (i, 0)),
        pl.BlockSpec((_D, _H), lambda i: (0, 0)),
    ],
    out_specs=pl.BlockSpec((_BLK, _H), lambda i: (i, 0)),
    out_shape=jax.ShapeDtypeStruct((_N, _H), jnp.float32),
)


def _kmid_body(p_ref, q0_ref, q1_ref, b1_ref, w2_ref, b2_ref, w1n_ref, o_ref):
    z = jnp.maximum(p_ref[...] + q0_ref[0] + q1_ref[0] + b1_ref[...], 0.0)
    t = jnp.dot(z, w2_ref[...], preferred_element_type=jnp.float32) + b2_ref[...]
    t = jnp.maximum(t, 0.0)
    o_ref[...] = jnp.dot(t, w1n_ref[...], preferred_element_type=jnp.float32)


_kmid = pl.pallas_call(
    _kmid_body,
    grid=(_NBLK,),
    in_specs=[
        pl.BlockSpec((_BLK, _H), lambda i: (i, 0)),
        pl.BlockSpec((1, _BLK, _H), lambda i: (0, i, 0)),
        pl.BlockSpec((1, _BLK, _H), lambda i: (1, i, 0)),
        pl.BlockSpec((1, _H), lambda i: (0, 0)),
        pl.BlockSpec((_H, _H), lambda i: (0, 0)),
        pl.BlockSpec((1, _H), lambda i: (0, 0)),
        pl.BlockSpec((_H, _H), lambda i: (0, 0)),
    ],
    out_specs=pl.BlockSpec((_BLK, _H), lambda i: (i, 0)),
    out_shape=jax.ShapeDtypeStruct((_N, _H), jnp.float32),
)


def _kfin_body(p_ref, q0_ref, q1_ref, b1_ref, w2_ref, b2_ref, bt_ref,
               wl_ref, bl_ref, out_ref, g_ref, sums_ref, cnt_ref):
    i = pl.program_id(0)
    z = jnp.maximum(p_ref[...] + q0_ref[0] + q1_ref[0] + b1_ref[...], 0.0)
    h = jnp.dot(z, w2_ref[...], preferred_element_type=jnp.float32) + b2_ref[...]
    h = jnp.maximum(h, 0.0)

    bt = bt_ref[0, 0, :]
    onehot = (bt[:, None] == lax.broadcasted_iota(jnp.int32, (1, _G), 1)
              ).astype(jnp.float32)
    part = lax.dot_general(onehot, h, (((0,), (0,)), ((), ())),
                           preferred_element_type=jnp.float32)
    pcnt = lax.dot_general(onehot, jnp.ones((_BLK, 1), jnp.float32),
                           (((0,), (0,)), ((), ())),
                           preferred_element_type=jnp.float32)

    @pl.when(i == 0)
    def _():
        sums_ref[...] = part
        cnt_ref[...] = pcnt

    @pl.when(i > 0)
    def _():
        sums_ref[...] += part
        cnt_ref[...] += pcnt

    @pl.when(i == pl.num_programs(0) - 1)
    def _():
        g = sums_ref[...] / jnp.maximum(cnt_ref[...], 1.0)
        g_ref[...] = g
        out_ref[...] = jnp.dot(g, wl_ref[...],
                               preferred_element_type=jnp.float32) + bl_ref[...]


_kfin = pl.pallas_call(
    _kfin_body,
    grid=(_NBLK,),
    in_specs=[
        pl.BlockSpec((_BLK, _H), lambda i: (i, 0)),
        pl.BlockSpec((1, _BLK, _H), lambda i: (0, i, 0)),
        pl.BlockSpec((1, _BLK, _H), lambda i: (1, i, 0)),
        pl.BlockSpec((1, _H), lambda i: (0, 0)),
        pl.BlockSpec((_H, _H), lambda i: (0, 0)),
        pl.BlockSpec((1, _H), lambda i: (0, 0)),
        pl.BlockSpec((1, 1, _BLK), lambda i: (i, 0, 0)),
        pl.BlockSpec((_H, _C), lambda i: (0, 0)),
        pl.BlockSpec((1, _C), lambda i: (0, 0)),
    ],
    out_specs=[
        pl.BlockSpec((_G, _C), lambda i: (0, 0)),
        pl.BlockSpec((_G, _H), lambda i: (0, 0)),
    ],
    out_shape=[
        jax.ShapeDtypeStruct((_G, _C), jnp.float32),
        jax.ShapeDtypeStruct((_G, _H), jnp.float32),
    ],
    scratch_shapes=[
        pltpu.VMEM((_G, _H), jnp.float32),
        pltpu.VMEM((_G, 1), jnp.float32),
    ],
)


def kernel(x, W1_0, b1_0, W2_0, b2_0, W1_1, b1_1, W2_1, b2_1,
           W1_2, b1_2, W2_2, b2_2, Wl, bl, edge_index, batch):
    npad = _EPAD - _E
    src = jnp.concatenate(
        [edge_index[0], jnp.zeros((npad,), jnp.int32)]).reshape(
            _NTILES, _NCH, _CH)
    dst = jnp.concatenate(
        [edge_index[1], jnp.full((npad,), _DUMMY, jnp.int32)]).reshape(
            _NTILES, _NCH, _CH)
    bt3 = batch.reshape(_NBLK, 1, _BLK)
    b1_0r, b2_0r = b1_0.reshape(1, _H), b2_0.reshape(1, _H)
    b1_1r, b2_1r = b1_1.reshape(1, _H), b2_1.reshape(1, _H)
    b1_2r, b2_2r = b1_2.reshape(1, _H), b2_2.reshape(1, _H)
    bl_r = bl.reshape(1, _C)

    p = _k0(x, W1_0)
    q = _sc_agg(p, src, dst)
    p = _kmid(p, q, q, b1_0r, W2_0, b2_0r, W1_1)
    q = _sc_agg(p, src, dst)
    p = _kmid(p, q, q, b1_1r, W2_1, b2_1r, W1_2)
    q = _sc_agg(p, src, dst)
    out, g = _kfin(p, q, q, b1_2r, W2_2, b2_2r, bt3, Wl, bl_r)
    return (out, g)

# --- scband reference (transcript-rebuilt; emitter-appended) ---
"""Pipeline reference for scband-ginsmall-36764920054229 (READ-ONLY COPY).

The authoritative reference and input builder live on the scoring server;
editing this copy changes nothing except your own understanding.
"""

import jax, jax.numpy as jnp
import numpy as np

N = 10000
E = 320000
D = 128
H = 64
C = 2
G = 64


def setup_inputs(seed: int = 0) -> dict:
    key = jax.random.key(seed)
    ks = jax.random.split(key, 20)
    x = jax.random.normal(ks[0], (N, D), dtype=jnp.float32)
    edge_index = jax.random.randint(ks[1], (2, E), 0, N, dtype=jnp.int32)
    batch = jnp.sort(jax.random.randint(ks[2], (N,), 0, G, dtype=jnp.int32))
    s = 0.05
    inp = {
        'x': x,
        'W1_0': jax.random.normal(ks[3], (D, H), dtype=jnp.float32) * s,
        'b1_0': jnp.zeros((H,), dtype=jnp.float32),
        'W2_0': jax.random.normal(ks[4], (H, H), dtype=jnp.float32) * s,
        'b2_0': jnp.zeros((H,), dtype=jnp.float32),
        'W1_1': jax.random.normal(ks[5], (H, H), dtype=jnp.float32) * s,
        'b1_1': jnp.zeros((H,), dtype=jnp.float32),
        'W2_1': jax.random.normal(ks[6], (H, H), dtype=jnp.float32) * s,
        'b2_1': jnp.zeros((H,), dtype=jnp.float32),
        'W1_2': jax.random.normal(ks[7], (H, H), dtype=jnp.float32) * s,
        'b1_2': jnp.zeros((H,), dtype=jnp.float32),
        'W2_2': jax.random.normal(ks[8], (H, H), dtype=jnp.float32) * s,
        'b2_2': jnp.zeros((H,), dtype=jnp.float32),
        'Wl': jax.random.normal(ks[9], (H, C), dtype=jnp.float32) * s,
        'bl': jnp.zeros((C,), dtype=jnp.float32),
        'edge_index': edge_index,
        'batch': batch,
    }
    return inp


def reference(x, W1_0, b1_0, W2_0, b2_0, W1_1, b1_1, W2_1, b2_1, W1_2, b1_2, W2_2, b2_2, Wl, bl, edge_index, batch):
    src = edge_index[0]
    dst = edge_index[1]
    convs = [(W1_0, b1_0, W2_0, b2_0), (W1_1, b1_1, W2_1, b2_1), (W1_2, b1_2, W2_2, b2_2)]
    h = x
    for (W1, b1, W2, b2) in convs:
        # GINConv with eps=0: mlp(x + sum_{j in N(i)} x_j)
        msgs = jnp.take(h, src, axis=0)
        agg = jax.ops.segment_sum(msgs, dst, num_segments=N)
        z = h + agg
        z = jnp.maximum(z @ W1 + b1, 0.0)
        z = z @ W2 + b2
        h = jnp.maximum(z, 0.0)  # outer F.relu; dropout inactive in eval mode
    sums = jax.ops.segment_sum(h, batch, num_segments=G)
    counts = jax.ops.segment_sum(jnp.ones((N,), dtype=jnp.float32), batch, num_segments=G)
    g = sums / jnp.maximum(counts, 1.0)[:, None]
    out = g @ Wl + bl
    return (out, g)

if __name__ == "__main__":
    import jax
    _d = setup_inputs()
    print(jax.jit(kernel)(*tuple(_d.values())))

</pallas_src>

<mosaic_0001>
#map = affine_map<(d0, d1) -> (0, 0)>
#map1 = affine_map<(d0, d1) -> (0, 0, 0)>
module attributes {stable_mosaic.version = 14 : i64} {
  func.func @_sc_agg_body(%arg0: i32, %arg1: i32, %arg2: memref<10000x64xf32, #tpu.memory_space<hbm>>, %arg3: memref<32x79x128xi32, #tpu.memory_space<hbm>>, %arg4: memref<32x79x128xi32, #tpu.memory_space<hbm>>, %arg5: memref<2x10240x64xf32, #tpu.memory_space<hbm>>, %arg6: memref<79x128xi32, #tpu.memory_space<vmem>>, %arg7: memref<79x128xi32, #tpu.memory_space<vmem>>, %arg8: memref<4x128x64xf32, #tpu.memory_space<vmem>>, %arg9: memref<128x64xf32, #tpu.memory_space<vmem>>, %arg10: memref<10240x64xf32, #tpu.memory_space<vmem_shared>>, %arg11: memref<4x!tpu.dma_semaphore, #tpu.memory_space<semaphore_mem>>) attributes {dimension_semantics = [#tpu.dimension_semantics<core_parallel>, #tpu.dimension_semantics<subcore_parallel>], iteration_bounds = array<i64: 2, 16>, scalar_prefetch = 0 : i64, scratch_operands = 6 : i64, tpu.core_type = #tpu.core_type<sc_vector_subcore>, window_params = [{transform_indices = #map}, {transform_indices = #map1}, {transform_indices = #map1}, {transform_indices = #map1}]} {
    %mul3A = arith.constant 16 : i32
    %mul3A_0 = arith.muli %arg0, %mul3A : i32
    %add3A = arith.addi %mul3A_0, %arg1 : i32
    %scan3A = arith.constant 0 : i32
    %scan3A_1 = arith.constant 0 : i32
    %scan3A_2 = arith.constant 512 : i32
    %scan3A_3 = arith.addi %scan3A_1, %scan3A_2 : i32
    %scan3A_4 = arith.constant 1 : i32
    scf.for %scan3A_69 = %scan3A_1 to %scan3A_3 step %scan3A_4  : i32 {
      %broadcast_in_dim3A = arith.constant 0.000000e+00 : f32
      %broadcast_in_dim3A_70 = vector.broadcast %broadcast_in_dim3A : f32 to vector<16xf32>
      %jit3A = arith.constant 4 : i32
      %div3A = arith.divsi %scan3A_69, %jit3A : i32
      %sign3A = arith.constant 0 : i32
      %sign3A_71 = arith.cmpi sgt, %scan3A_69, %sign3A : i32
      %sign3A_72 = arith.extui %sign3A_71 : i1 to i32
      %sign3A_73 = arith.constant 0 : i32
      %sign3A_74 = arith.cmpi slt, %scan3A_69, %sign3A_73 : i32
      %sign3A_75 = arith.extui %sign3A_74 : i1 to i32
      %sign3A_76 = arith.subi %sign3A_72, %sign3A_75 : i32
      %sign3A_77 = arith.constant 0 : i32
      %sign3A_78 = arith.cmpi sgt, %jit3A, %sign3A_77 : i32
      %sign3A_79 = arith.extui %sign3A_78 : i1 to i32
      %sign3A_80 = arith.constant 0 : i32
      %sign3A_81 = arith.cmpi slt, %jit3A, %sign3A_80 : i32
      %sign3A_82 = arith.extui %sign3A_81 : i1 to i32
      %sign3A_83 = arith.subi %sign3A_79, %sign3A_82 : i32
      %ne3A = arith.cmpi ne, %sign3A_76, %sign3A_83 : i32
      %rem3A = arith.remsi %scan3A_69, %jit3A : i32
      %ne3A_84 = arith.constant 0 : i32
      %ne3A_85 = arith.cmpi ne, %rem3A, %ne3A_84 : i32
      %and3A = arith.andi %ne3A, %ne3A_85 : i1
      %sub3A = arith.constant 1 : i32
      %sub3A_86 = arith.subi %div3A, %sub3A : i32
      %select_n3A = arith.select %and3A, %sub3A_86, %div3A : i32
      %jit3A_87 = arith.constant 4 : i32
      %eq3A = arith.constant 0 : i32
      %eq3A_88 = arith.cmpi eq, %jit3A_87, %eq3A : i32
      %jit3A_89 = arith.constant 1 : i32
      %select_n3A_90 = arith.select %eq3A_88, %jit3A_89, %jit3A_87 : i32
      %rem3A_91 = arith.remsi %scan3A_69, %select_n3A_90 : i32
      %ne3A_92 = arith.constant 0 : i32
      %ne3A_93 = arith.cmpi ne, %rem3A_91, %ne3A_92 : i32
      %lt3A = arith.constant 0 : i32
      %lt3A_94 = arith.cmpi slt, %rem3A_91, %lt3A : i32
      %lt3A_95 = arith.constant 0 : i32
      %lt3A_96 = arith.cmpi slt, %select_n3A_90, %lt3A_95 : i32
      %ne3A_97 = arith.xori %lt3A_94, %lt3A_96 : i1
      %and3A_98 = arith.andi %ne3A_97, %ne3A_93 : i1
      %add3A_99 = arith.addi %rem3A_91, %select_n3A_90 : i32
      %select_n3A_100 = arith.select %and3A_98, %add3A_99, %rem3A_91 : i32
      %mul3A_101 = arith.constant 16 : i32
      %mul3A_102 = arith.muli %select_n3A_100, %mul3A_101 : i32
      %swap3A = arith.index_cast %select_n3A : i32 to index
      %swap3A_103 = arith.index_cast %mul3A_102 : i32 to index
      %swap3A_104 = tpu.vector_load %arg9[%swap3A, %swap3A_103] {strides = array<i32>} : memref<128x64xf32, #tpu.memory_space<vmem>>, vector<1x16xf32>,
      %swap3A_105 = vector.shape_cast %swap3A_104 : vector<1x16xf32> to vector<16xf32>
      %swap3A_106 = vector.shape_cast %broadcast_in_dim3A_70 : vector<16xf32> to vector<1x16xf32>
      tpu.vector_store %arg9[%swap3A, %swap3A_103], %swap3A_106 {strides = array<i32>} : memref<128x64xf32, #tpu.memory_space<vmem>>, vector<1x16xf32>,
    }
    %scan3A_5 = arith.constant 512 : i32
    %scan3A_6 = arith.constant 0 : i32
    %scan3A_7 = arith.constant 0 : i32
    %scan3A_8 = arith.constant 5 : i32
    %scan3A_9 = arith.addi %scan3A_7, %scan3A_8 : i32
    %scan3A_10 = arith.constant 1 : i32
    scf.for %scan3A_69 = %scan3A_7 to %scan3A_9 step %scan3A_10  : i32 {
      %mul3A_70 = arith.constant 640 : i32
      %mul3A_71 = arith.muli %arg1, %mul3A_70 : i32
      %mul3A_72 = arith.constant 128 : i32
      %mul3A_73 = arith.muli %scan3A_69, %mul3A_72 : i32
      %add3A_74 = arith.addi %mul3A_71, %mul3A_73 : i32
      "tpu.region"() ({
        %run_scoped3A = tpu.sem_alloc : memref<!tpu.dma_semaphore, #tpu.memory_space<semaphore_mem>>
        %dma_start3A_75 = arith.constant 0 : i32
        %dma_start3A_76 = tpu.memref_slice %arg10[%add3A_74, %dma_start3A_75] : memref<10240x64xf32, #tpu.memory_space<vmem_shared>> -> memref<128x64xf32, #tpu.memory_space<vmem_shared>>
        %dma_start3A_77 = arith.constant 0 : i32
        %dma_start3A_78 = tpu.memref_slice %arg10[%add3A_74, %dma_start3A_77] : memref<10240x64xf32, #tpu.memory_space<vmem_shared>> -> memref<128x64xf32, #tpu.memory_space<vmem_shared>>
        tpu.enqueue_dma source(%arg9 : memref<128x64xf32, #tpu.memory_space<vmem>>) target(%dma_start3A_78 : memref<128x64xf32, #tpu.memory_space<vmem_shared>>) target_semaphore(%run_scoped3A : memref<!tpu.dma_semaphore, #tpu.memory_space<semaphore_mem>>)
        %dma_wait3A = arith.constant 0 : i32
        %dma_wait3A_79 = tpu.memref_slice %arg10[%add3A_74, %dma_wait3A] : memref<10240x64xf32, #tpu.memory_space<vmem_shared>> -> memref<128x64xf32, #tpu.memory_space<vmem_shared>>
        %dma_wait3A_80 = arith.constant 0 : i32
        %dma_wait3A_81 = tpu.memref_slice %arg10[%add3A_74, %dma_wait3A_80] : memref<10240x64xf32, #tpu.memory_space<vmem_shared>> -> memref<128x64xf32, #tpu.memory_space<vmem_shared>>
        tpu.wait_dma2 semaphore(%run_scoped3A : memref<!tpu.dma_semaphore, #tpu.memory_space<semaphore_mem>>) src(%arg9 : memref<128x64xf32, #tpu.memory_space<vmem>>) dst(%dma_wait3A_81 : memref<128x64xf32, #tpu.memory_space<vmem_shared>>)
        tpu.yield
      }) : () -> ()
    }
    %scan3A_11 = arith.constant 5 : i32
    %barrier3A = arith.constant 0 : index
    tpu.barrier barrier_id(%barrier3A)
    "tpu.region"() ({
      %run_scoped3A = tpu.sem_alloc : memref<!tpu.dma_semaphore, #tpu.memory_space<semaphore_mem>>
      %dma_start3A_69 = arith.constant 0 : i32
      %dma_start3A_70 = arith.constant 0 : i32
      %dma_start3A_71 = tpu.memref_slice %arg3[%add3A, %dma_start3A_69, %dma_start3A_70] : memref<32x79x128xi32, #tpu.memory_space<hbm>> -> memref<1x79x128xi32, #tpu.memory_space<hbm>>
      %dma_start3A_72 = tpu.memref_squeeze %dma_start3A_71 : memref<1x79x128xi32, #tpu.memory_space<hbm>> -> memref<79x128xi32, #tpu.memory_space<hbm>>
      %dma_start3A_73 = arith.constant 0 : i32
      %dma_start3A_74 = arith.constant 0 : i32
      %dma_start3A_75 = tpu.memref_slice %arg3[%add3A, %dma_start3A_73, %dma_start3A_74] : memref<32x79x128xi32, #tpu.memory_space<hbm>> -> memref<1x79x128xi32, #tpu.memory_space<hbm>>
      %dma_start3A_76 = tpu.memref_squeeze %dma_start3A_75 : memref<1x79x128xi32, #tpu.memory_space<hbm>> -> memref<79x128xi32, #tpu.memory_space<hbm>>
      tpu.enqueue_dma source(%dma_start3A_76 : memref<79x128xi32, #tpu.memory_space<hbm>>) target(%arg6 : memref<79x128xi32, #tpu.memory_space<vmem>>) target_semaphore(%run_scoped3A : memref<!tpu.dma_semaphore, #tpu.memory_space<semaphore_mem>>)
      %dma_wait3A = arith.constant 0 : i32
      %dma_wait3A_77 = arith.constant 0 : i32
      %dma_wait3A_78 = tpu.memref_slice %arg3[%add3A, %dma_wait3A, %dma_wait3A_77] : memref<32x79x128xi32, #tpu.memory_space<hbm>> -> memref<1x79x128xi32, #tpu.memory_space<hbm>>
      %dma_wait3A_79 = tpu.memref_squeeze %dma_wait3A_78 : memref<1x79x128xi32, #tpu.memory_space<hbm>> -> memref<79x128xi32, #tpu.memory_space<hbm>>
      %dma_wait3A_80 = arith.constant 0 : i32
      %dma_wait3A_81 = arith.constant 0 : i32
      %dma_wait3A_82 = tpu.memref_slice %arg3[%add3A, %dma_wait3A_80, %dma_wait3A_81] : memref<32x79x128xi32, #tpu.memory_space<hbm>> -> memref<1x79x128xi32, #tpu.memory_space<hbm>>
      %dma_wait3A_83 = tpu.memref_squeeze %dma_wait3A_82 : memref<1x79x128xi32, #tpu.memory_space<hbm>> -> memref<79x128xi32, #tpu.memory_space<hbm>>
      tpu.wait_dma2 semaphore(%run_scoped3A : memref<!tpu.dma_semaphore, #tpu.memory_space<semaphore_mem>>) src(%dma_wait3A_83 : memref<79x128xi32, #tpu.memory_space<hbm>>) dst(%arg6 : memref<79x128xi32, #tpu.memory_space<vmem>>)
      tpu.yield
    }) : () -> ()
    "tpu.region"() ({
      %run_scoped3A = tpu.sem_alloc : memref<!tpu.dma_semaphore, #tpu.memory_space<semaphore_mem>>
      %dma_start3A_69 = arith.constant 0 : i32
      %dma_start3A_70 = arith.constant 0 : i32
      %dma_start3A_71 = tpu.memref_slice %arg4[%add3A, %dma_start3A_69, %dma_start3A_70] : memref<32x79x128xi32, #tpu.memory_space<hbm>> -> memref<1x79x128xi32, #tpu.memory_space<hbm>>
      %dma_start3A_72 = tpu.memref_squeeze %dma_start3A_71 : memref<1x79x128xi32, #tpu.memory_space<hbm>> -> memref<79x128xi32, #tpu.memory_space<hbm>>
      %dma_start3A_73 = arith.constant 0 : i32
      %dma_start3A_74 = arith.constant 0 : i32
      %dma_start3A_75 = tpu.memref_slice %arg4[%add3A, %dma_start3A_73, %dma_start3A_74] : memref<32x79x128xi32, #tpu.memory_space<hbm>> -> memref<1x79x128xi32, #tpu.memory_space<hbm>>
      %dma_start3A_76 = tpu.memref_squeeze %dma_start3A_75 : memref<1x79x128xi32, #tpu.memory_space<hbm>> -> memref<79x128xi32, #tpu.memory_space<hbm>>
      tpu.enqueue_dma source(%dma_start3A_76 : memref<79x128xi32, #tpu.memory_space<hbm>>) target(%arg7 : memref<79x128xi32, #tpu.memory_space<vmem>>) target_semaphore(%run_scoped3A : memref<!tpu.dma_semaphore, #tpu.memory_space<semaphore_mem>>)
      %dma_wait3A = arith.constant 0 : i32
      %dma_wait3A_77 = arith.constant 0 : i32
      %dma_wait3A_78 = tpu.memref_slice %arg4[%add3A, %dma_wait3A, %dma_wait3A_77] : memref<32x79x128xi32, #tpu.memory_space<hbm>> -> memref<1x79x128xi32, #tpu.memory_space<hbm>>
      %dma_wait3A_79 = tpu.memref_squeeze %dma_wait3A_78 : memref<1x79x128xi32, #tpu.memory_space<hbm>> -> memref<79x128xi32, #tpu.memory_space<hbm>>
      %dma_wait3A_80 = arith.constant 0 : i32
      %dma_wait3A_81 = arith.constant 0 : i32
      %dma_wait3A_82 = tpu.memref_slice %arg4[%add3A, %dma_wait3A_80, %dma_wait3A_81] : memref<32x79x128xi32, #tpu.memory_space<hbm>> -> memref<1x79x128xi32, #tpu.memory_space<hbm>>
      %dma_wait3A_83 = tpu.memref_squeeze %dma_wait3A_82 : memref<1x79x128xi32, #tpu.memory_space<hbm>> -> memref<79x128xi32, #tpu.memory_space<hbm>>
      tpu.wait_dma2 semaphore(%run_scoped3A : memref<!tpu.dma_semaphore, #tpu.memory_space<semaphore_mem>>) src(%dma_wait3A_83 : memref<79x128xi32, #tpu.memory_space<hbm>>) dst(%arg7 : memref<79x128xi32, #tpu.memory_space<vmem>>)
      tpu.yield
    }) : () -> ()
    %dma_start3A = arith.constant 0 : i32
    %dma_start3A_12 = arith.constant 0 : i32
    %dma_start3A_13 = arith.constant 0 : i32
    %dma_start3A_14 = arith.constant 0 : i32
    %dma_start3A_15 = arith.constant 0 : i32
    %dma_start3A_16 = tpu.memref_slice %arg8[%dma_start3A_12, %dma_start3A_14, %dma_start3A_15] : memref<4x128x64xf32, #tpu.memory_space<vmem>> -> memref<1x128x64xf32, #tpu.memory_space<vmem>>
    %dma_start3A_17 = tpu.memref_squeeze %dma_start3A_16 : memref<1x128x64xf32, #tpu.memory_space<vmem>> -> memref<128x64xf32, #tpu.memory_space<vmem>>
    %dma_start3A_18 = arith.constant 0 : i32
    %dma_start3A_19 = tpu.memref_slice %arg6[%dma_start3A, %dma_start3A_18] : memref<79x128xi32, #tpu.memory_space<vmem>> -> memref<1x128xi32, #tpu.memory_space<vmem>>
    %dma_start3A_20 = tpu.memref_squeeze %dma_start3A_19 : memref<1x128xi32, #tpu.memory_space<vmem>> -> memref<128xi32, #tpu.memory_space<vmem>>
    %dma_start3A_21 = arith.constant 0 : i32
    %dma_start3A_22 = arith.constant 0 : i32
    %dma_start3A_23 = tpu.memref_slice %arg2[%dma_start3A_21, %dma_start3A_22] : memref<10000x64xf32, #tpu.memory_space<hbm>> -> memref<10000x64xf32, #tpu.memory_space<hbm>>
    %dma_start3A_24 = tpu.memref_slice %arg11[%dma_start3A_13] : memref<4x!tpu.dma_semaphore, #tpu.memory_space<semaphore_mem>> -> memref<1x!tpu.dma_semaphore, #tpu.memory_space<semaphore_mem>>
    %dma_start3A_25 = tpu.memref_squeeze %dma_start3A_24 : memref<1x!tpu.dma_semaphore, #tpu.memory_space<semaphore_mem>> -> memref<!tpu.dma_semaphore, #tpu.memory_space<semaphore_mem>>
    tpu.enqueue_indirect_dma source(%dma_start3A_23 : memref<10000x64xf32, #tpu.memory_space<hbm>>) target(%dma_start3A_17 : memref<128x64xf32, #tpu.memory_space<vmem>>) offsets(%dma_start3A_20 : memref<128xi32, #tpu.memory_space<vmem>>) semaphore(%dma_start3A_25 : memref<!tpu.dma_semaphore, #tpu.memory_space<semaphore_mem>>)
    %dma_start3A_26 = arith.constant 1 : i32
    %dma_start3A_27 = arith.constant 1 : i32
    %dma_start3A_28 = arith.constant 1 : i32
    %dma_start3A_29 = arith.constant 0 : i32
    %dma_start3A_30 = arith.constant 0 : i32
    %dma_start3A_31 = tpu.memref_slice %arg8[%dma_start3A_27, %dma_start3A_29, %dma_start3A_30] : memref<4x128x64xf32, #tpu.memory_space<vmem>> -> memref<1x128x64xf32, #tpu.memory_space<vmem>>
    %dma_start3A_32 = tpu.memref_squeeze %dma_start3A_31 : memref<1x128x64xf32, #tpu.memory_space<vmem>> -> memref<128x64xf32, #tpu.memory_space<vmem>>
    %dma_start3A_33 = arith.constant 0 : i32
    %dma_start3A_34 = tpu.memref_slice %arg6[%dma_start3A_26, %dma_start3A_33] : memref<79x128xi32, #tpu.memory_space<vmem>> -> memref<1x128xi32, #tpu.memory_space<vmem>>
    %dma_start3A_35 = tpu.memref_squeeze %dma_start3A_34 : memref<1x128xi32, #tpu.memory_space<vmem>> -> memref<128xi32, #tpu.memory_space<vmem>>
    %dma_start3A_36 = arith.constant 0 : i32
    %dma_start3A_37 = arith.constant 0 : i32
    %dma_start3A_38 = tpu.memref_slice %arg2[%dma_start3A_36, %dma_start3A_37] : memref<10000x64xf32, #tpu.memory_space<hbm>> -> memref<10000x64xf32, #tpu.memory_space<hbm>>
    %dma_start3A_39 = tpu.memref_slice %arg11[%dma_start3A_28] : memref<4x!tpu.dma_semaphore, #tpu.memory_space<semaphore_mem>> -> memref<1x!tpu.dma_semaphore, #tpu.memory_space<semaphore_mem>>
    %dma_start3A_40 = tpu.memref_squeeze %dma_start3A_39 : memref<1x!tpu.dma_semaphore, #tpu.memory_space<semaphore_mem>> -> memref<!tpu.dma_semaphore, #tpu.memory_space<semaphore_mem>>
    tpu.enqueue_indirect_dma source(%dma_start3A_38 : memref<10000x64xf32, #tpu.memory_space<hbm>>) target(%dma_start3A_32 : memref<128x64xf32, #tpu.memory_space<vmem>>) offsets(%dma_start3A_35 : memref<128xi32, #tpu.memory_space<vmem>>) semaphore(%dma_start3A_40 : memref<!tpu.dma_semaphore, #tpu.memory_space<semaphore_mem>>)
    %dma_start3A_41 = arith.constant 2 : i32
    %dma_start3A_42 = arith.constant 2 : i32
    %dma_start3A_43 = arith.constant 2 : i32
    %dma_start3A_44 = arith.constant 0 : i32
    %dma_start3A_45 = arith.constant 0 : i32
    %dma_start3A_46 = tpu.memref_slice %arg8[%dma_start3A_42, %dma_start3A_44, %dma_start3A_45] : memref<4x128x64xf32, #tpu.memory_space<vmem>> -> memref<1x128x64xf32, #tpu.memory_space<vmem>>
    %dma_start3A_47 = tpu.memref_squeeze %dma_start3A_46 : memref<1x128x64xf32, #tpu.memory_space<vmem>> -> memref<128x64xf32, #tpu.memory_space<vmem>>
    %dma_start3A_48 = arith.constant 0 : i32
    %dma_start3A_49 = tpu.memref_slice %arg6[%dma_start3A_41, %dma_start3A_48] : memref<79x128xi32, #tpu.memory_space<vmem>> -> memref<1x128xi32, #tpu.memory_space<vmem>>
    %dma_start3A_50 = tpu.memref_squeeze %dma_start3A_49 : memref<1x128xi32, #tpu.memory_space<vmem>> -> memref<128xi32, #tpu.memory_space<vmem>>
    %dma_start3A_51 = arith.constant 0 : i32
    %dma_start3A_52 = arith.constant 0 : i32
    %dma_start3A_53 = tpu.memref_slice %arg2[%dma_start3A_51, %dma_start3A_52] : memref<10000x64xf32, #tpu.memory_space<hbm>> -> memref<10000x64xf32, #tpu.memory_space<hbm>>
    %dma_start3A_54 = tpu.memref_slice %arg11[%dma_start3A_43] : memref<4x!tpu.dma_semaphore, #tpu.memory_space<semaphore_mem>> -> memref<1x!tpu.dma_semaphore, #tpu.memory_space<semaphore_mem>>
    %dma_start3A_55 = tpu.memref_squeeze %dma_start3A_54 : memref<1x!tpu.dma_semaphore, #tpu.memory_space<semaphore_mem>> -> memref<!tpu.dma_semaphore, #tpu.memory_space<semaphore_mem>>
    tpu.enqueue_indirect_dma source(%dma_start3A_53 : memref<10000x64xf32, #tpu.memory_space<hbm>>) target(%dma_start3A_47 : memref<128x64xf32, #tpu.memory_space<vmem>>) offsets(%dma_start3A_50 : memref<128xi32, #tpu.memory_space<vmem>>) semaphore(%dma_start3A_55 : memref<!tpu.dma_semaphore, #tpu.memory_space<semaphore_mem>>)
    %scan3A_56 = arith.constant 0 : i32
    %scan3A_57 = arith.constant 0 : i32
    %scan3A_58 = arith.constant 79 : i32
    %scan3A_59 = arith.addi %scan3A_57, %scan3A_58 : i32
    %scan3A_60 = arith.constant 1 : i32
    scf.for %scan3A_69 = %scan3A_57 to %scan3A_59 step %scan3A_60  : i32 {
      %rem3A = arith.constant 4 : i32
      %rem3A_70 = arith.remsi %scan3A_69, %rem3A : i32
      %add3A_71 = arith.constant 3 : i32
      %add3A_72 = arith.addi %scan3A_69, %add3A_71 : i32
      %lt3A = arith.constant 79 : i32
      %lt3A_73 = arith.cmpi slt, %add3A_72, %lt3A : i32
      %convert_element_type3A = arith.extui %lt3A_73 : i1 to i32
      %cond3A = arith.constant 0 : i32
      %cond3A_74 = arith.cmpi ne, %convert_element_type3A, %cond3A : i32
      scf.if %cond3A_74 {
        %add3A_86 = arith.constant 3 : i32
        %add3A_87 = arith.addi %scan3A_69, %add3A_86 : i32
        %rem3A_88 = arith.constant 4 : i32
        %rem3A_89 = arith.remsi %add3A_87, %rem3A_88 : i32
        %add3A_90 = arith.constant 3 : i32
        %add3A_91 = arith.addi %scan3A_69, %add3A_90 : i32
        %dma_start3A_92 = arith.constant 0 : i32
        %dma_start3A_93 = arith.constant 0 : i32
        %dma_start3A_94 = tpu.memref_slice %arg8[%rem3A_89, %dma_start3A_92, %dma_start3A_93] : memref<4x128x64xf32, #tpu.memory_space<vmem>> -> memref<1x128x64xf32, #tpu.memory_space<vmem>>
        %dma_start3A_95 = tpu.memref_squeeze %dma_start3A_94 : memref<1x128x64xf32, #tpu.memory_space<vmem>> -> memref<128x64xf32, #tpu.memory_space<vmem>>
        %dma_start3A_96 = arith.constant 0 : i32
        %dma_start3A_97 = tpu.memref_slice %arg6[%add3A_91, %dma_start3A_96] : memref<79x128xi32, #tpu.memory_space<vmem>> -> memref<1x128xi32, #tpu.memory_space<vmem>>
        %dma_start3A_98 = tpu.memref_squeeze %dma_start3A_97 : memref<1x128xi32, #tpu.memory_space<vmem>> -> memref<128xi32, #tpu.memory_space<vmem>>
        %dma_start3A_99 = arith.constant 0 : i32
        %dma_start3A_100 = arith.constant 0 : i32
        %dma_start3A_101 = tpu.memref_slice %arg2[%dma_start3A_99, %dma_start3A_100] : memref<10000x64xf32, #tpu.memory_space<hbm>> -> memref<10000x64xf32, #tpu.memory_space<hbm>>
        %dma_start3A_102 = tpu.memref_slice %arg11[%rem3A_89] : memref<4x!tpu.dma_semaphore, #tpu.memory_space<semaphore_mem>> -> memref<1x!tpu.dma_semaphore, #tpu.memory_space<semaphore_mem>>
        %dma_start3A_103 = tpu.memref_squeeze %dma_start3A_102 : memref<1x!tpu.dma_semaphore, #tpu.memory_space<semaphore_mem>> -> memref<!tpu.dma_semaphore, #tpu.memory_space<semaphore_mem>>
        tpu.enqueue_indirect_dma source(%dma_start3A_101 : memref<10000x64xf32, #tpu.memory_space<hbm>>) target(%dma_start3A_95 : memref<128x64xf32, #tpu.memory_space<vmem>>) offsets(%dma_start3A_98 : memref<128xi32, #tpu.memory_space<vmem>>) semaphore(%dma_start3A_103 : memref<!tpu.dma_semaphore, #tpu.memory_space<semaphore_mem>>)
      } else {
      }
      %dma_wait3A = arith.constant 0 : i32
      %dma_wait3A_75 = arith.constant 0 : i32
      %dma_wait3A_76 = tpu.memref_slice %arg8[%rem3A_70, %dma_wait3A, %dma_wait3A_75] : memref<4x128x64xf32, #tpu.memory_space<vmem>> -> memref<1x128x64xf32, #tpu.memory_space<vmem>>
      %dma_wait3A_77 = tpu.memref_squeeze %dma_wait3A_76 : memref<1x128x64xf32, #tpu.memory_space<vmem>> -> memref<128x64xf32, #tpu.memory_space<vmem>>
      %dma_wait3A_78 = arith.constant 0 : i32
      %dma_wait3A_79 = tpu.memref_slice %arg6[%scan3A_69, %dma_wait3A_78] : memref<79x128xi32, #tpu.memory_space<vmem>> -> memref<1x128xi32, #tpu.memory_space<vmem>>
      %dma_wait3A_80 = tpu.memref_squeeze %dma_wait3A_79 : memref<1x128xi32, #tpu.memory_space<vmem>> -> memref<128xi32, #tpu.memory_space<vmem>>
      %dma_wait3A_81 = arith.constant 0 : i32
      %dma_wait3A_82 = arith.constant 0 : i32
      %dma_wait3A_83 = tpu.memref_slice %arg2[%dma_wait3A_81, %dma_wait3A_82] : memref<10000x64xf32, #tpu.memory_space<hbm>> -> memref<10000x64xf32, #tpu.memory_space<hbm>>
      %dma_wait3A_84 = tpu.memref_slice %arg11[%rem3A_70] : memref<4x!tpu.dma_semaphore, #tpu.memory_space<semaphore_mem>> -> memref<1x!tpu.dma_semaphore, #tpu.memory_space<semaphore_mem>>
      %dma_wait3A_85 = tpu.memref_squeeze %dma_wait3A_84 : memref<1x!tpu.dma_semaphore, #tpu.memory_space<semaphore_mem>> -> memref<!tpu.dma_semaphore, #tpu.memory_space<semaphore_mem>>
      tpu.wait_indirect_dma semaphore(%dma_wait3A_85 : memref<!tpu.dma_semaphore, #tpu.memory_space<semaphore_mem>>) src(%dma_wait3A_83 : memref<10000x64xf32, #tpu.memory_space<hbm>>) dst(%dma_wait3A_77 : memref<128x64xf32, #tpu.memory_space<vmem>>)
      "tpu.region"() ({
        %run_scoped3A = tpu.sem_alloc : memref<!tpu.dma_semaphore, #tpu.memory_space<semaphore_mem>>
        %dma_start3A_86 = arith.constant 0 : i32
        %dma_start3A_87 = arith.constant 0 : i32
        %dma_start3A_88 = tpu.memref_slice %arg8[%rem3A_70, %dma_start3A_86, %dma_start3A_87] : memref<4x128x64xf32, #tpu.memory_space<vmem>> -> memref<1x128x64xf32, #tpu.memory_space<vmem>>
        %dma_start3A_89 = tpu.memref_squeeze %dma_start3A_88 : memref<1x128x64xf32, #tpu.memory_space<vmem>> -> memref<128x64xf32, #tpu.memory_space<vmem>>
        %dma_start3A_90 = arith.constant 0 : i32
        %dma_start3A_91 = tpu.memref_slice %arg7[%scan3A_69, %dma_start3A_90] : memref<79x128xi32, #tpu.memory_space<vmem>> -> memref<1x128xi32, #tpu.memory_space<vmem>>
        %dma_start3A_92 = tpu.memref_squeeze %dma_start3A_91 : memref<1x128xi32, #tpu.memory_space<vmem>> -> memref<128xi32, #tpu.memory_space<vmem>>
        %dma_start3A_93 = arith.constant 0 : i32
        %dma_start3A_94 = arith.constant 0 : i32
        %dma_start3A_95 = tpu.memref_slice %arg10[%dma_start3A_93, %dma_start3A_94] : memref<10240x64xf32, #tpu.memory_space<vmem_shared>> -> memref<10240x64xf32, #tpu.memory_space<vmem_shared>>
        tpu.enqueue_indirect_dma source(%dma_start3A_89 : memref<128x64xf32, #tpu.memory_space<vmem>>) target(%dma_start3A_95 : memref<10240x64xf32, #tpu.memory_space<vmem_shared>>) offsets(%dma_start3A_92 : memref<128xi32, #tpu.memory_space<vmem>>) semaphore(%run_scoped3A : memref<!tpu.dma_semaphore, #tpu.memory_space<semaphore_mem>>) {add = true}
        %dma_wait3A_96 = arith.constant 0 : i32
        %dma_wait3A_97 = arith.constant 0 : i32
        %dma_wait3A_98 = tpu.memref_slice %arg8[%rem3A_70, %dma_wait3A_96, %dma_wait3A_97] : memref<4x128x64xf32, #tpu.memory_space<vmem>> -> memref<1x128x64xf32, #tpu.memory_space<vmem>>
        %dma_wait3A_99 = tpu.memref_squeeze %dma_wait3A_98 : memref<1x128x64xf32, #tpu.memory_space<vmem>> -> memref<128x64xf32, #tpu.memory_space<vmem>>
        %dma_wait3A_100 = arith.constant 0 : i32
        %dma_wait3A_101 = tpu.memref_slice %arg7[%scan3A_69, %dma_wait3A_100] : memref<79x128xi32, #tpu.memory_space<vmem>> -> memref<1x128xi32, #tpu.memory_space<vmem>>
        %dma_wait3A_102 = tpu.memref_squeeze %dma_wait3A_101 : memref<1x128xi32, #tpu.memory_space<vmem>> -> memref<128xi32, #tpu.memory_space<vmem>>
        %dma_wait3A_103 = arith.constant 0 : i32
        %dma_wait3A_104 = arith.constant 0 : i32
        %dma_wait3A_105 = tpu.memref_slice %arg10[%dma_wait3A_103, %dma_wait3A_104] : memref<10240x64xf32, #tpu.memory_space<vmem_shared>> -> memref<10240x64xf32, #tpu.memory_space<vmem_shared>>
        tpu.wait_indirect_dma semaphore(%run_scoped3A : memref<!tpu.dma_semaphore, #tpu.memory_space<semaphore_mem>>) src(%dma_wait3A_99 : memref<128x64xf32, #tpu.memory_space<vmem>>) dst(%dma_wait3A_105 : memref<10240x64xf32, #tpu.memory_space<vmem_shared>>)
        tpu.yield
      }) : () -> ()
    }
    %scan3A_61 = arith.constant 79 : i32
    %barrier3A_62 = arith.constant 0 : index
    tpu.barrier barrier_id(%barrier3A_62)
    %scan3A_63 = arith.constant 0 : i32
    %scan3A_64 = arith.constant 0 : i32
    %scan3A_65 = arith.constant 5 : i32
    %scan3A_66 = arith.addi %scan3A_64, %scan3A_65 : i32
    %scan3A_67 = arith.constant 1 : i32
    scf.for %scan3A_69 = %scan3A_64 to %scan3A_66 step %scan3A_67  : i32 {
      %mul3A_70 = arith.constant 640 : i32
      %mul3A_71 = arith.muli %arg1, %mul3A_70 : i32
      %mul3A_72 = arith.constant 128 : i32
      %mul3A_73 = arith.muli %scan3A_69, %mul3A_72 : i32
      %add3A_74 = arith.addi %mul3A_71, %mul3A_73 : i32
      "tpu.region"() ({
        %run_scoped3A = tpu.sem_alloc : memref<!tpu.dma_semaphore, #tpu.memory_space<semaphore_mem>>
        %dma_start3A_75 = arith.constant 0 : i32
        %dma_start3A_76 = tpu.memref_slice %arg10[%add3A_74, %dma_start3A_75] : memref<10240x64xf32, #tpu.memory_space<vmem_shared>> -> memref<128x64xf32, #tpu.memory_space<vmem_shared>>
        %dma_start3A_77 = arith.constant 0 : i32
        %dma_start3A_78 = tpu.memref_slice %arg10[%add3A_74, %dma_start3A_77] : memref<10240x64xf32, #tpu.memory_space<vmem_shared>> -> memref<128x64xf32, #tpu.memory_space<vmem_shared>>
        tpu.enqueue_dma source(%dma_start3A_78 : memref<128x64xf32, #tpu.memory_space<vmem_shared>>) target(%arg9 : memref<128x64xf32, #tpu.memory_space<vmem>>) target_semaphore(%run_scoped3A : memref<!tpu.dma_semaphore, #tpu.memory_space<semaphore_mem>>)
        %dma_wait3A = arith.constant 0 : i32
        %dma_wait3A_79 = tpu.memref_slice %arg10[%add3A_74, %dma_wait3A] : memref<10240x64xf32, #tpu.memory_space<vmem_shared>> -> memref<128x64xf32, #tpu.memory_space<vmem_shared>>
        %dma_wait3A_80 = arith.constant 0 : i32
        %dma_wait3A_81 = tpu.memref_slice %arg10[%add3A_74, %dma_wait3A_80] : memref<10240x64xf32, #tpu.memory_space<vmem_shared>> -> memref<128x64xf32, #tpu.memory_space<vmem_shared>>
        tpu.wait_dma2 semaphore(%run_scoped3A : memref<!tpu.dma_semaphore, #tpu.memory_space<semaphore_mem>>) src(%dma_wait3A_81 : memref<128x64xf32, #tpu.memory_space<vmem_shared>>) dst(%arg9 : memref<128x64xf32, #tpu.memory_space<vmem>>)
        tpu.yield
      }) : () -> ()
      "tpu.region"() ({
        %run_scoped3A = tpu.sem_alloc : memref<!tpu.dma_semaphore, #tpu.memory_space<semaphore_mem>>
        %dma_start3A_75 = arith.constant 0 : i32
        %dma_start3A_76 = tpu.memref_slice %arg5[%arg0, %add3A_74, %dma_start3A_75] : memref<2x10240x64xf32, #tpu.memory_space<hbm>> -> memref<1x128x64xf32, #tpu.memory_space<hbm>>
        %dma_start3A_77 = tpu.memref_squeeze %dma_start3A_76 : memref<1x128x64xf32, #tpu.memory_space<hbm>> -> memref<128x64xf32, #tpu.memory_space<hbm>>
        %dma_start3A_78 = arith.constant 0 : i32
        %dma_start3A_79 = tpu.memref_slice %arg5[%arg0, %add3A_74, %dma_start3A_78] : memref<2x10240x64xf32, #tpu.memory_space<hbm>> -> memref<1x128x64xf32, #tpu.memory_space<hbm>>
        %dma_start3A_80 = tpu.memref_squeeze %dma_start3A_79 : memref<1x128x64xf32, #tpu.memory_space<hbm>> -> memref<128x64xf32, #tpu.memory_space<hbm>>
        tpu.enqueue_dma source(%arg9 : memref<128x64xf32, #tpu.memory_space<vmem>>) target(%dma_start3A_80 : memref<128x64xf32, #tpu.memory_space<hbm>>) target_semaphore(%run_scoped3A : memref<!tpu.dma_semaphore, #tpu.memory_space<semaphore_mem>>)
        %dma_wait3A = arith.constant 0 : i32
        %dma_wait3A_81 = tpu.memref_slice %arg5[%arg0, %add3A_74, %dma_wait3A] : memref<2x10240x64xf32, #tpu.memory_space<hbm>> -> memref<1x128x64xf32, #tpu.memory_space<hbm>>
        %dma_wait3A_82 = tpu.memref_squeeze %dma_wait3A_81 : memref<1x128x64xf32, #tpu.memory_space<hbm>> -> memref<128x64xf32, #tpu.memory_space<hbm>>
        %dma_wait3A_83 = arith.constant 0 : i32
        %dma_wait3A_84 = tpu.memref_slice %arg5[%arg0, %add3A_74, %dma_wait3A_83] : memref<2x10240x64xf32, #tpu.memory_space<hbm>> -> memref<1x128x64xf32, #tpu.memory_space<hbm>>
        %dma_wait3A_85 = tpu.memref_squeeze %dma_wait3A_84 : memref<1x128x64xf32, #tpu.memory_space<hbm>> -> memref<128x64xf32, #tpu.memory_space<hbm>>
        tpu.wait_dma2 semaphore(%run_scoped3A : memref<!tpu.dma_semaphore, #tpu.memory_space<semaphore_mem>>) src(%arg9 : memref<128x64xf32, #tpu.memory_space<vmem>>) dst(%dma_wait3A_85 : memref<128x64xf32, #tpu.memory_space<hbm>>)
        tpu.yield
      }) : () -> ()
    }
    %scan3A_68 = arith.constant 5 : i32
    return
  }
}

#map = affine_map<(d0, d1) -> (0, 0)>
#map1 = affine_map<(d0, d1) -> (0, 0, 0)>
module attributes {stable_mosaic.version = 14 : i64} {
  func.func @_sc_agg_body(%arg0: i32, %arg1: i32, %arg2: memref<10000x64xf32, #tpu.memory_space<hbm>>, %arg3: memref<32x79x128xi32, #tpu.memory_space<hbm>>, %arg4: memref<32x79x128xi32, #tpu.memory_space<hbm>>, %arg5: memref<2x10240x64xf32, #tpu.memory_space<hbm>>, %arg6: memref<79x128xi32, #tpu.memory_space<vmem>>, %arg7: memref<79x128xi32, #tpu.memory_space<vmem>>, %arg8: memref<4x128x64xf32, #tpu.memory_space<vmem>>, %arg9: memref<128x64xf32, #tpu.memory_space<vmem>>, %arg10: memref<10240x64xf32, #tpu.memory_space<vmem_shared>>, %arg11: memref<4x!tpu.dma_semaphore, #tpu.memory_space<semaphore_mem>>) attributes {dimension_semantics = [#tpu.dimension_semantics<core_parallel>, #tpu.dimension_semantics<subcore_parallel>], iteration_bounds = array<i64: 2, 16>, scalar_prefetch = 0 : i64, scratch_operands = 6 : i64, tpu.core_type = #tpu.core_type<sc_vector_subcore>, window_params = [{transform_indices = #map}, {transform_indices = #map1}, {transform_indices = #map1}, {transform_indices = #map1}]} {
    %mul3A = arith.constant 16 : i32
    %mul3A_0 = arith.muli %arg0, %mul3A : i32
    %add3A = arith.addi %mul3A_0, %arg1 : i32
    %scan3A = arith.constant 0 : i32
    %scan3A_1 = arith.constant 0 : i32
    %scan3A_2 = arith.constant 512 : i32
    %scan3A_3 = arith.addi %scan3A_1, %scan3A_2 : i32
    %scan3A_4 = arith.constant 1 : i32
    scf.for %scan3A_69 = %scan3A_1 to %scan3A_3 step %scan3A_4  : i32 {
      %broadcast_in_dim3A = arith.constant 0.000000e+00 : f32
      %broadcast_in_dim3A_70 = vector.broadcast %broadcast_in_dim3A : f32 to vector<16xf32>
      %jit3A = arith.constant 4 : i32
      %div3A = arith.divsi %scan3A_69, %jit3A : i32
      %sign3A = arith.constant 0 : i32
      %sign3A_71 = arith.cmpi sgt, %scan3A_69, %sign3A : i32
      %sign3A_72 = arith.extui %sign3A_71 : i1 to i32
      %sign3A_73 = arith.constant 0 : i32
      %sign3A_74 = arith.cmpi slt, %scan3A_69, %sign3A_73 : i32
      %sign3A_75 = arith.extui %sign3A_74 : i1 to i32
      %sign3A_76 = arith.subi %sign3A_72, %sign3A_75 : i32
      %sign3A_77 = arith.constant 0 : i32
      %sign3A_78 = arith.cmpi sgt, %jit3A, %sign3A_77 : i32
      %sign3A_79 = arith.extui %sign3A_78 : i1 to i32
      %sign3A_80 = arith.constant 0 : i32
      %sign3A_81 = arith.cmpi slt, %jit3A, %sign3A_80 : i32
      %sign3A_82 = arith.extui %sign3A_81 : i1 to i32
      %sign3A_83 = arith.subi %sign3A_79, %sign3A_82 : i32
      %ne3A = arith.cmpi ne, %sign3A_76, %sign3A_83 : i32
      %rem3A = arith.remsi %scan3A_69, %jit3A : i32
      %ne3A_84 = arith.constant 0 : i32
      %ne3A_85 = arith.cmpi ne, %rem3A, %ne3A_84 : i32
      %and3A = arith.andi %ne3A, %ne3A_85 : i1
      %sub3A = arith.constant 1 : i32
      %sub3A_86 = arith.subi %div3A, %sub3A : i32
      %select_n3A = arith.select %and3A, %sub3A_86, %div3A : i32
      %jit3A_87 = arith.constant 4 : i32
      %eq3A = arith.constant 0 : i32
      %eq3A_88 = arith.cmpi eq, %jit3A_87, %eq3A : i32
      %jit3A_89 = arith.constant 1 : i32
      %select_n3A_90 = arith.select %eq3A_88, %jit3A_89, %jit3A_87 : i32
      %rem3A_91 = arith.remsi %scan3A_69, %select_n3A_90 : i32
      %ne3A_92 = arith.constant 0 : i32
      %ne3A_93 = arith.cmpi ne, %rem3A_91, %ne3A_92 : i32
      %lt3A = arith.constant 0 : i32
      %lt3A_94 = arith.cmpi slt, %rem3A_91, %lt3A : i32
      %lt3A_95 = arith.constant 0 : i32
      %lt3A_96 = arith.cmpi slt, %select_n3A_90, %lt3A_95 : i32
      %ne3A_97 = arith.xori %lt3A_94, %lt3A_96 : i1
      %and3A_98 = arith.andi %ne3A_97, %ne3A_93 : i1
      %add3A_99 = arith.addi %rem3A_91, %select_n3A_90 : i32
      %select_n3A_100 = arith.select %and3A_98, %add3A_99, %rem3A_91 : i32
      %mul3A_101 = arith.constant 16 : i32
      %mul3A_102 = arith.muli %select_n3A_100, %mul3A_101 : i32
      %swap3A = arith.index_cast %select_n3A : i32 to index
      %swap3A_103 = arith.index_cast %mul3A_102 : i32 to index
      %swap3A_104 = tpu.vector_load %arg9[%swap3A, %swap3A_103] {strides = array<i32>} : memref<128x64xf32, #tpu.memory_space<vmem>>, vector<1x16xf32>,
      %swap3A_105 = vector.shape_cast %swap3A_104 : vector<1x16xf32> to vector<16xf32>
      %swap3A_106 = vector.shape_cast %broadcast_in_dim3A_70 : vector<16xf32> to vector<1x16xf32>
      tpu.vector_store %arg9[%swap3A, %swap3A_103], %swap3A_106 {strides = array<i32>} : memref<128x64xf32, #tpu.memory_space<vmem>>, vector<1x16xf32>,
    }
    %scan3A_5 = arith.constant 512 : i32
    %scan3A_6 = arith.constant 0 : i32
    %scan3A_7 = arith.constant 0 : i32
    %scan3A_8 = arith.constant 5 : i32
    %scan3A_9 = arith.addi %scan3A_7, %scan3A_8 : i32
    %scan3A_10 = arith.constant 1 : i32
    scf.for %scan3A_69 = %scan3A_7 to %scan3A_9 step %scan3A_10  : i32 {
      %mul3A_70 = arith.constant 640 : i32
      %mul3A_71 = arith.muli %arg1, %mul3A_70 : i32
      %mul3A_72 = arith.constant 128 : i32
      %mul3A_73 = arith.muli %scan3A_69, %mul3A_72 : i32
      %add3A_74 = arith.addi %mul3A_71, %mul3A_73 : i32
      "tpu.region"() ({
        %run_scoped3A = tpu.sem_alloc : memref<!tpu.dma_semaphore, #tpu.memory_space<semaphore_mem>>
        %dma_start3A_75 = arith.constant 0 : i32
        %dma_start3A_76 = tpu.memref_slice %arg10[%add3A_74, %dma_start3A_75] : memref<10240x64xf32, #tpu.memory_space<vmem_shared>> -> memref<128x64xf32, #tpu.memory_space<vmem_shared>>
        %dma_start3A_77 = arith.constant 0 : i32
        %dma_start3A_78 = tpu.memref_slice %arg10[%add3A_74, %dma_start3A_77] : memref<10240x64xf32, #tpu.memory_space<vmem_shared>> -> memref<128x64xf32, #tpu.memory_space<vmem_shared>>
        tpu.enqueue_dma source(%arg9 : memref<128x64xf32, #tpu.memory_space<vmem>>) target(%dma_start3A_78 : memref<128x64xf32, #tpu.memory_space<vmem_shared>>) target_semaphore(%run_scoped3A : memref<!tpu.dma_semaphore, #tpu.memory_space<semaphore_mem>>)
        %dma_wait3A = arith.constant 0 : i32
        %dma_wait3A_79 = tpu.memref_slice %arg10[%add3A_74, %dma_wait3A] : memref<10240x64xf32, #tpu.memory_space<vmem_shared>> -> memref<128x64xf32, #tpu.memory_space<vmem_shared>>
        %dma_wait3A_80 = arith.constant 0 : i32
        %dma_wait3A_81 = tpu.memref_slice %arg10[%add3A_74, %dma_wait3A_80] : memref<10240x64xf32, #tpu.memory_space<vmem_shared>> -> memref<128x64xf32, #tpu.memory_space<vmem_shared>>
        tpu.wait_dma2 semaphore(%run_scoped3A : memref<!tpu.dma_semaphore, #tpu.memory_space<semaphore_mem>>) src(%arg9 : memref<128x64xf32, #tpu.memory_space<vmem>>) dst(%dma_wait3A_81 : memref<128x64xf32, #tpu.memory_space<vmem_shared>>)
        tpu.yield
      }) : () -> ()
    }
    %scan3A_11 = arith.constant 5 : i32
    %barrier3A = arith.constant 0 : index
    tpu.barrier barrier_id(%barrier3A)
    "tpu.region"() ({
      %run_scoped3A = tpu.sem_alloc : memref<!tpu.dma_semaphore, #tpu.memory_space<semaphore_mem>>
      %dma_start3A_69 = arith.constant 0 : i32
      %dma_start3A_70 = arith.constant 0 : i32
      %dma_start3A_71 = tpu.memref_slice %arg3[%add3A, %dma_start3A_69, %dma_start3A_70] : memref<32x79x128xi32, #tpu.memory_space<hbm>> -> memref<1x79x128xi32, #tpu.memory_space<hbm>>
      %dma_start3A_72 = tpu.memref_squeeze %dma_start3A_71 : memref<1x79x128xi32, #tpu.memory_space<hbm>> -> memref<79x128xi32, #tpu.memory_space<hbm>>
      %dma_start3A_73 = arith.constant 0 : i32
      %dma_start3A_74 = arith.constant 0 : i32
      %dma_start3A_75 = tpu.memref_slice %arg3[%add3A, %dma_start3A_73, %dma_start3A_74] : memref<32x79x128xi32, #tpu.memory_space<hbm>> -> memref<1x79x128xi32, #tpu.memory_space<hbm>>
      %dma_start3A_76 = tpu.memref_squeeze %dma_start3A_75 : memref<1x79x128xi32, #tpu.memory_space<hbm>> -> memref<79x128xi32, #tpu.memory_space<hbm>>
      tpu.enqueue_dma source(%dma_start3A_76 : memref<79x128xi32, #tpu.memory_space<hbm>>) target(%arg6 : memref<79x128xi32, #tpu.memory_space<vmem>>) target_semaphore(%run_scoped3A : memref<!tpu.dma_semaphore, #tpu.memory_space<semaphore_mem>>)
      %dma_wait3A = arith.constant 0 : i32
      %dma_wait3A_77 = arith.constant 0 : i32
      %dma_wait3A_78 = tpu.memref_slice %arg3[%add3A, %dma_wait3A, %dma_wait3A_77] : memref<32x79x128xi32, #tpu.memory_space<hbm>> -> memref<1x79x128xi32, #tpu.memory_space<hbm>>
      %dma_wait3A_79 = tpu.memref_squeeze %dma_wait3A_78 : memref<1x79x128xi32, #tpu.memory_space<hbm>> -> memref<79x128xi32, #tpu.memory_space<hbm>>
      %dma_wait3A_80 = arith.constant 0 : i32
      %dma_wait3A_81 = arith.constant 0 : i32
      %dma_wait3A_82 = tpu.memref_slice %arg3[%add3A, %dma_wait3A_80, %dma_wait3A_81] : memref<32x79x128xi32, #tpu.memory_space<hbm>> -> memref<1x79x128xi32, #tpu.memory_space<hbm>>
      %dma_wait3A_83 = tpu.memref_squeeze %dma_wait3A_82 : memref<1x79x128xi32, #tpu.memory_space<hbm>> -> memref<79x128xi32, #tpu.memory_space<hbm>>
      tpu.wait_dma2 semaphore(%run_scoped3A : memref<!tpu.dma_semaphore, #tpu.memory_space<semaphore_mem>>) src(%dma_wait3A_83 : memref<79x128xi32, #tpu.memory_space<hbm>>) dst(%arg6 : memref<79x128xi32, #tpu.memory_space<vmem>>)
      tpu.yield
    }) : () -> ()
    "tpu.region"() ({
      %run_scoped3A = tpu.sem_alloc : memref<!tpu.dma_semaphore, #tpu.memory_space<semaphore_mem>>
      %dma_start3A_69 = arith.constant 0 : i32
      %dma_start3A_70 = arith.constant 0 : i32
      %dma_start3A_71 = tpu.memref_slice %arg4[%add3A, %dma_start3A_69, %dma_start3A_70] : memref<32x79x128xi32, #tpu.memory_space<hbm>> -> memref<1x79x128xi32, #tpu.memory_space<hbm>>
      %dma_start3A_72 = tpu.memref_squeeze %dma_start3A_71 : memref<1x79x128xi32, #tpu.memory_space<hbm>> -> memref<79x128xi32, #tpu.memory_space<hbm>>
      %dma_start3A_73 = arith.constant 0 : i32
      %dma_start3A_74 = arith.constant 0 : i32
      %dma_start3A_75 = tpu.memref_slice %arg4[%add3A, %dma_start3A_73, %dma_start3A_74] : memref<32x79x128xi32, #tpu.memory_space<hbm>> -> memref<1x79x128xi32, #tpu.memory_space<hbm>>
      %dma_start3A_76 = tpu.memref_squeeze %dma_start3A_75 : memref<1x79x128xi32, #tpu.memory_space<hbm>> -> memref<79x128xi32, #tpu.memory_space<hbm>>
      tpu.enqueue_dma source(%dma_start3A_76 : memref<79x128xi32, #tpu.memory_space<hbm>>) target(%arg7 : memref<79x128xi32, #tpu.memory_space<vmem>>) target_semaphore(%run_scoped3A : memref<!tpu.dma_semaphore, #tpu.memory_space<semaphore_mem>>)
      %dma_wait3A = arith.constant 0 : i32
      %dma_wait3A_77 = arith.constant 0 : i32
      %dma_wait3A_78 = tpu.memref_slice %arg4[%add3A, %dma_wait3A, %dma_wait3A_77] : memref<32x79x128xi32, #tpu.memory_space<hbm>> -> memref<1x79x128xi32, #tpu.memory_space<hbm>>
      %dma_wait3A_79 = tpu.memref_squeeze %dma_wait3A_78 : memref<1x79x128xi32, #tpu.memory_space<hbm>> -> memref<79x128xi32, #tpu.memory_space<hbm>>
      %dma_wait3A_80 = arith.constant 0 : i32
      %dma_wait3A_81 = arith.constant 0 : i32
      %dma_wait3A_82 = tpu.memref_slice %arg4[%add3A, %dma_wait3A_80, %dma_wait3A_81] : memref<32x79x128xi32, #tpu.memory_space<hbm>> -> memref<1x79x128xi32, #tpu.memory_space<hbm>>
      %dma_wait3A_83 = tpu.memref_squeeze %dma_wait3A_82 : memref<1x79x128xi32, #tpu.memory_space<hbm>> -> memref<79x128xi32, #tpu.memory_space<hbm>>
      tpu.wait_dma2 semaphore(%run_scoped3A : memref<!tpu.dma_semaphore, #tpu.memory_space<semaphore_mem>>) src(%dma_wait3A_83 : memref<79x128xi32, #tpu.memory_space<hbm>>) dst(%arg7 : memref<79x128xi32, #tpu.memory_space<vmem>>)
      tpu.yield
    }) : () -> ()
    %dma_start3A = arith.constant 0 : i32
    %dma_start3A_12 = arith.constant 0 : i32
    %dma_start3A_13 = arith.constant 0 : i32
    %dma_start3A_14 = arith.constant 0 : i32
    %dma_start3A_15 = arith.constant 0 : i32
    %dma_start3A_16 = tpu.memref_slice %arg8[%dma_start3A_12, %dma_start3A_14, %dma_start3A_15] : memref<4x128x64xf32, #tpu.memory_space<vmem>> -> memref<1x128x64xf32, #tpu.memory_space<vmem>>
    %dma_start3A_17 = tpu.memref_squeeze %dma_start3A_16 : memref<1x128x64xf32, #tpu.memory_space<vmem>> -> memref<128x64xf32, #tpu.memory_space<vmem>>
    %dma_start3A_18 = arith.constant 0 : i32
    %dma_start3A_19 = tpu.memref_slice %arg6[%dma_start3A, %dma_start3A_18] : memref<79x128xi32, #tpu.memory_space<vmem>> -> memref<1x128xi32, #tpu.memory_space<vmem>>
    %dma_start3A_20 = tpu.memref_squeeze %dma_start3A_19 : memref<1x128xi32, #tpu.memory_space<vmem>> -> memref<128xi32, #tpu.memory_space<vmem>>
    %dma_start3A_21 = arith.constant 0 : i32
    %dma_start3A_22 = arith.constant 0 : i32
    %dma_start3A_23 = tpu.memref_slice %arg2[%dma_start3A_21, %dma_start3A_22] : memref<10000x64xf32, #tpu.memory_space<hbm>> -> memref<10000x64xf32, #tpu.memory_space<hbm>>
    %dma_start3A_24 = tpu.memref_slice %arg11[%dma_start3A_13] : memref<4x!tpu.dma_semaphore, #tpu.memory_space<semaphore_mem>> -> memref<1x!tpu.dma_semaphore, #tpu.memory_space<semaphore_mem>>
    %dma_start3A_25 = tpu.memref_squeeze %dma_start3A_24 : memref<1x!tpu.dma_semaphore, #tpu.memory_space<semaphore_mem>> -> memref<!tpu.dma_semaphore, #tpu.memory_space<semaphore_mem>>
    tpu.enqueue_indirect_dma source(%dma_start3A_23 : memref<10000x64xf32, #tpu.memory_space<hbm>>) target(%dma_start3A_17 : memref<128x64xf32, #tpu.memory_space<vmem>>) offsets(%dma_start3A_20 : memref<128xi32, #tpu.memory_space<vmem>>) semaphore(%dma_start3A_25 : memref<!tpu.dma_semaphore, #tpu.memory_space<semaphore_mem>>)
    %dma_start3A_26 = arith.constant 1 : i32
    %dma_start3A_27 = arith.constant 1 : i32
    %dma_start3A_28 = arith.constant 1 : i32
    %dma_start3A_29 = arith.constant 0 : i32
    %dma_start3A_30 = arith.constant 0 : i32
    %dma_start3A_31 = tpu.memref_slice %arg8[%dma_start3A_27, %dma_start3A_29, %dma_start3A_30] : memref<4x128x64xf32, #tpu.memory_space<vmem>> -> memref<1x128x64xf32, #tpu.memory_space<vmem>>
    %dma_start3A_32 = tpu.memref_squeeze %dma_start3A_31 : memref<1x128x64xf32, #tpu.memory_space<vmem>> -> memref<128x64xf32, #tpu.memory_space<vmem>>
    %dma_start3A_33 = arith.constant 0 : i32
    %dma_start3A_34 = tpu.memref_slice %arg6[%dma_start3A_26, %dma_start3A_33] : memref<79x128xi32, #tpu.memory_space<vmem>> -> memref<1x128xi32, #tpu.memory_space<vmem>>
    %dma_start3A_35 = tpu.memref_squeeze %dma_start3A_34 : memref<1x128xi32, #tpu.memory_space<vmem>> -> memref<128xi32, #tpu.memory_space<vmem>>
    %dma_start3A_36 = arith.constant 0 : i32
    %dma_start3A_37 = arith.constant 0 : i32
    %dma_start3A_38 = tpu.memref_slice %arg2[%dma_start3A_36, %dma_start3A_37] : memref<10000x64xf32, #tpu.memory_space<hbm>> -> memref<10000x64xf32, #tpu.memory_space<hbm>>
    %dma_start3A_39 = tpu.memref_slice %arg11[%dma_start3A_28] : memref<4x!tpu.dma_semaphore, #tpu.memory_space<semaphore_mem>> -> memref<1x!tpu.dma_semaphore, #tpu.memory_space<semaphore_mem>>
    %dma_start3A_40 = tpu.memref_squeeze %dma_start3A_39 : memref<1x!tpu.dma_semaphore, #tpu.memory_space<semaphore_mem>> -> memref<!tpu.dma_semaphore, #tpu.memory_space<semaphore_mem>>
    tpu.enqueue_indirect_dma source(%dma_start3A_38 : memref<10000x64xf32, #tpu.memory_space<hbm>>) target(%dma_start3A_32 : memref<128x64xf32, #tpu.memory_space<vmem>>) offsets(%dma_start3A_35 : memref<128xi32, #tpu.memory_space<vmem>>) semaphore(%dma_start3A_40 : memref<!tpu.dma_semaphore, #tpu.memory_space<semaphore_mem>>)
    %dma_start3A_41 = arith.constant 2 : i32
    %dma_start3A_42 = arith.constant 2 : i32
    %dma_start3A_43 = arith.constant 2 : i32
    %dma_start3A_44 = arith.constant 0 : i32
    %dma_start3A_45 = arith.constant 0 : i32
    %dma_start3A_46 = tpu.memref_slice %arg8[%dma_start3A_42, %dma_start3A_44, %dma_start3A_45] : memref<4x128x64xf32, #tpu.memory_space<vmem>> -> memref<1x128x64xf32, #tpu.memory_space<vmem>>
    %dma_start3A_47 = tpu.memref_squeeze %dma_start3A_46 : memref<1x128x64xf32, #tpu.memory_space<vmem>> -> memref<128x64xf32, #tpu.memory_space<vmem>>
    %dma_start3A_48 = arith.constant 0 : i32
    %dma_start3A_49 = tpu.memref_slice %arg6[%dma_start3A_41, %dma_start3A_48] : memref<79x128xi32, #tpu.memory_space<vmem>> -> memref<1x128xi32, #tpu.memory_space<vmem>>
    %dma_start3A_50 = tpu.memref_squeeze %dma_start3A_49 : memref<1x128xi32, #tpu.memory_space<vmem>> -> memref<128xi32, #tpu.memory_space<vmem>>
    %dma_start3A_51 = arith.constant 0 : i32
    %dma_start3A_52 = arith.constant 0 : i32
    %dma_start3A_53 = tpu.memref_slice %arg2[%dma_start3A_51, %dma_start3A_52] : memref<10000x64xf32, #tpu.memory_space<hbm>> -> memref<10000x64xf32, #tpu.memory_space<hbm>>
    %dma_start3A_54 = tpu.memref_slice %arg11[%dma_start3A_43] : memref<4x!tpu.dma_semaphore, #tpu.memory_space<semaphore_mem>> -> memref<1x!tpu.dma_semaphore, #tpu.memory_space<semaphore_mem>>
    %dma_start3A_55 = tpu.memref_squeeze %dma_start3A_54 : memref<1x!tpu.dma_semaphore, #tpu.memory_space<semaphore_mem>> -> memref<!tpu.dma_semaphore, #tpu.memory_space<semaphore_mem>>
    tpu.enqueue_indirect_dma source(%dma_start3A_53 : memref<10000x64xf32, #tpu.memory_space<hbm>>) target(%dma_start3A_47 : memref<128x64xf32, #tpu.memory_space<vmem>>) offsets(%dma_start3A_50 : memref<128xi32, #tpu.memory_space<vmem>>) semaphore(%dma_start3A_55 : memref<!tpu.dma_semaphore, #tpu.memory_space<semaphore_mem>>)
    %scan3A_56 = arith.constant 0 : i32
    %scan3A_57 = arith.constant 0 : i32
    %scan3A_58 = arith.constant 79 : i32
    %scan3A_59 = arith.addi %scan3A_57, %scan3A_58 : i32
    %scan3A_60 = arith.constant 1 : i32
    scf.for %scan3A_69 = %scan3A_57 to %scan3A_59 step %scan3A_60  : i32 {
      %rem3A = arith.constant 4 : i32
      %rem3A_70 = arith.remsi %scan3A_69, %rem3A : i32
      %add3A_71 = arith.constant 3 : i32
      %add3A_72 = arith.addi %scan3A_69, %add3A_71 : i32
      %lt3A = arith.constant 79 : i32
      %lt3A_73 = arith.cmpi slt, %add3A_72, %lt3A : i32
      %convert_element_type3A = arith.extui %lt3A_73 : i1 to i32
      %cond3A = arith.constant 0 : i32
      %cond3A_74 = arith.cmpi ne, %convert_element_type3A, %cond3A : i32
      scf.if %cond3A_74 {
        %add3A_86 = arith.constant 3 : i32
        %add3A_87 = arith.addi %scan3A_69, %add3A_86 : i32
        %rem3A_88 = arith.constant 4 : i32
        %rem3A_89 = arith.remsi %add3A_87, %rem3A_88 : i32
        %add3A_90 = arith.constant 3 : i32
        %add3A_91 = arith.addi %scan3A_69, %add3A_90 : i32
        %dma_start3A_92 = arith.constant 0 : i32
        %dma_start3A_93 = arith.constant 0 : i32
        %dma_start3A_94 = tpu.memref_slice %arg8[%rem3A_89, %dma_start3A_92, %dma_start3A_93] : memref<4x128x64xf32, #tpu.memory_space<vmem>> -> memref<1x128x64xf32, #tpu.memory_space<vmem>>
        %dma_start3A_95 = tpu.memref_squeeze %dma_start3A_94 : memref<1x128x64xf32, #tpu.memory_space<vmem>> -> memref<128x64xf32, #tpu.memory_space<vmem>>
        %dma_start3A_96 = arith.constant 0 : i32
        %dma_start3A_97 = tpu.memref_slice %arg6[%add3A_91, %dma_start3A_96] : memref<79x128xi32, #tpu.memory_space<vmem>> -> memref<1x128xi32, #tpu.memory_space<vmem>>
        %dma_start3A_98 = tpu.memref_squeeze %dma_start3A_97 : memref<1x128xi32, #tpu.memory_space<vmem>> -> memref<128xi32, #tpu.memory_space<vmem>>
        %dma_start3A_99 = arith.constant 0 : i32
        %dma_start3A_100 = arith.constant 0 : i32
        %dma_start3A_101 = tpu.memref_slice %arg2[%dma_start3A_99, %dma_start3A_100] : memref<10000x64xf32, #tpu.memory_space<hbm>> -> memref<10000x64xf32, #tpu.memory_space<hbm>>
        %dma_start3A_102 = tpu.memref_slice %arg11[%rem3A_89] : memref<4x!tpu.dma_semaphore, #tpu.memory_space<semaphore_mem>> -> memref<1x!tpu.dma_semaphore, #tpu.memory_space<semaphore_mem>>
        %dma_start3A_103 = tpu.memref_squeeze %dma_start3A_102 : memref<1x!tpu.dma_semaphore, #tpu.memory_space<semaphore_mem>> -> memref<!tpu.dma_semaphore, #tpu.memory_space<semaphore_mem>>
        tpu.enqueue_indirect_dma source(%dma_start3A_101 : memref<10000x64xf32, #tpu.memory_space<hbm>>) target(%dma_start3A_95 : memref<128x64xf32, #tpu.memory_space<vmem>>) offsets(%dma_start3A_98 : memref<128xi32, #tpu.memory_space<vmem>>) semaphore(%dma_start3A_103 : memref<!tpu.dma_semaphore, #tpu.memory_space<semaphore_mem>>)
      } else {
      }
      %dma_wait3A = arith.constant 0 : i32
      %dma_wait3A_75 = arith.constant 0 : i32
      %dma_wait3A_76 = tpu.memref_slice %arg8[%rem3A_70, %dma_wait3A, %dma_wait3A_75] : memref<4x128x64xf32, #tpu.memory_space<vmem>> -> memref<1x128x64xf32, #tpu.memory_space<vmem>>
      %dma_wait3A_77 = tpu.memref_squeeze %dma_wait3A_76 : memref<1x128x64xf32, #tpu.memory_space<vmem>> -> memref<128x64xf32, #tpu.memory_space<vmem>>
      %dma_wait3A_78 = arith.constant 0 : i32
      %dma_wait3A_79 = tpu.memref_slice %arg6[%scan3A_69, %dma_wait3A_78] : memref<79x128xi32, #tpu.memory_space<vmem>> -> memref<1x128xi32, #tpu.memory_space<vmem>>
      %dma_wait3A_80 = tpu.memref_squeeze %dma_wait3A_79 : memref<1x128xi32, #tpu.memory_space<vmem>> -> memref<128xi32, #tpu.memory_space<vmem>>
      %dma_wait3A_81 = arith.constant 0 : i32
      %dma_wait3A_82 = arith.constant 0 : i32
      %dma_wait3A_83 = tpu.memref_slice %arg2[%dma_wait3A_81, %dma_wait3A_82] : memref<10000x64xf32, #tpu.memory_space<hbm>> -> memref<10000x64xf32, #tpu.memory_space<hbm>>
      %dma_wait3A_84 = tpu.memref_slice %arg11[%rem3A_70] : memref<4x!tpu.dma_semaphore, #tpu.memory_space<semaphore_mem>> -> memref<1x!tpu.dma_semaphore, #tpu.memory_space<semaphore_mem>>
      %dma_wait3A_85 = tpu.memref_squeeze %dma_wait3A_84 : memref<1x!tpu.dma_semaphore, #tpu.memory_space<semaphore_mem>> -> memref<!tpu.dma_semaphore, #tpu.memory_space<semaphore_mem>>
      tpu.wait_indirect_dma semaphore(%dma_wait3A_85 : memref<!tpu.dma_semaphore, #tpu.memory_space<semaphore_mem>>) src(%dma_wait3A_83 : memref<10000x64xf32, #tpu.memory_space<hbm>>) dst(%dma_wait3A_77 : memref<128x64xf32, #tpu.memory_space<vmem>>)
      "tpu.region"() ({
        %run_scoped3A = tpu.sem_alloc : memref<!tpu.dma_semaphore, #tpu.memory_space<semaphore_mem>>
        %dma_start3A_86 = arith.constant 0 : i32
        %dma_start3A_87 = arith.constant 0 : i32
        %dma_start3A_88 = tpu.memref_slice %arg8[%rem3A_70, %dma_start3A_86, %dma_start3A_87] : memref<4x128x64xf32, #tpu.memory_space<vmem>> -> memref<1x128x64xf32, #tpu.memory_space<vmem>>
        %dma_start3A_89 = tpu.memref_squeeze %dma_start3A_88 : memref<1x128x64xf32, #tpu.memory_space<vmem>> -> memref<128x64xf32, #tpu.memory_space<vmem>>
        %dma_start3A_90 = arith.constant 0 : i32
        %dma_start3A_91 = tpu.memref_slice %arg7[%scan3A_69, %dma_start3A_90] : memref<79x128xi32, #tpu.memory_space<vmem>> -> memref<1x128xi32, #tpu.memory_space<vmem>>
        %dma_start3A_92 = tpu.memref_squeeze %dma_start3A_91 : memref<1x128xi32, #tpu.memory_space<vmem>> -> memref<128xi32, #tpu.memory_space<vmem>>
        %dma_start3A_93 = arith.constant 0 : i32
        %dma_start3A_94 = arith.constant 0 : i32
        %dma_start3A_95 = tpu.memref_slice %arg10[%dma_start3A_93, %dma_start3A_94] : memref<10240x64xf32, #tpu.memory_space<vmem_shared>> -> memref<10240x64xf32, #tpu.memory_space<vmem_shared>>
        tpu.enqueue_indirect_dma source(%dma_start3A_89 : memref<128x64xf32, #tpu.memory_space<vmem>>) target(%dma_start3A_95 : memref<10240x64xf32, #tpu.memory_space<vmem_shared>>) offsets(%dma_start3A_92 : memref<128xi32, #tpu.memory_space<vmem>>) semaphore(%run_scoped3A : memref<!tpu.dma_semaphore, #tpu.memory_space<semaphore_mem>>) {add = true}
        %dma_wait3A_96 = arith.constant 0 : i32
        %dma_wait3A_97 = arith.constant 0 : i32
        %dma_wait3A_98 = tpu.memref_slice %arg8[%rem3A_70, %dma_wait3A_96, %dma_wait3A_97] : memref<4x128x64xf32, #tpu.memory_space<vmem>> -> memref<1x128x64xf32, #tpu.memory_space<vmem>>
        %dma_wait3A_99 = tpu.memref_squeeze %dma_wait3A_98 : memref<1x128x64xf32, #tpu.memory_space<vmem>> -> memref<128x64xf32, #tpu.memory_space<vmem>>
        %dma_wait3A_100 = arith.constant 0 : i32
        %dma_wait3A_101 = tpu.memref_slice %arg7[%scan3A_69, %dma_wait3A_100] : memref<79x128xi32, #tpu.memory_space<vmem>> -> memref<1x128xi32, #tpu.memory_space<vmem>>
        %dma_wait3A_102 = tpu.memref_squeeze %dma_wait3A_101 : memref<1x128xi32, #tpu.memory_space<vmem>> -> memref<128xi32, #tpu.memory_space<vmem>>
        %dma_wait3A_103 = arith.constant 0 : i32
        %dma_wait3A_104 = arith.constant 0 : i32
        %dma_wait3A_105 = tpu.memref_slice %arg10[%dma_wait3A_103, %dma_wait3A_104] : memref<10240x64xf32, #tpu.memory_space<vmem_shared>> -> memref<10240x64xf32, #tpu.memory_space<vmem_shared>>
        tpu.wait_indirect_dma semaphore(%run_scoped3A : memref<!tpu.dma_semaphore, #tpu.memory_space<semaphore_mem>>) src(%dma_wait3A_99 : memref<128x64xf32, #tpu.memory_space<vmem>>) dst(%dma_wait3A_105 : memref<10240x64xf32, #tpu.memory_space<vmem_shared>>)
        tpu.yield
      }) : () -> ()
    }
    %scan3A_61 = arith.constant 79 : i32
    %barrier3A_62 = arith.constant 0 : index
    tpu.barrier barrier_id(%barrier3A_62)
    %scan3A_63 = arith.constant 0 : i32
    %scan3A_64 = arith.constant 0 : i32
    %scan3A_65 = arith.constant 5 : i32
    %scan3A_66 = arith.addi %scan3A_64, %scan3A_65 : i32
    %scan3A_67 = arith.constant 1 : i32
    scf.for %scan3A_69 = %scan3A_64 to %scan3A_66 step %scan3A_67  : i32 {
      %mul3A_70 = arith.constant 640 : i32
      %mul3A_71 = arith.muli %arg1, %mul3A_70 : i32
      %mul3A_72 = arith.constant 128 : i32
      %mul3A_73 = arith.muli %scan3A_69, %mul3A_72 : i32
      %add3A_74 = arith.addi %mul3A_71, %mul3A_73 : i32
      "tpu.region"() ({
        %run_scoped3A = tpu.sem_alloc : memref<!tpu.dma_semaphore, #tpu.memory_space<semaphore_mem>>
        %dma_start3A_75 = arith.constant 0 : i32
        %dma_start3A_76 = tpu.memref_slice %arg10[%add3A_74, %dma_start3A_75] : memref<10240x64xf32, #tpu.memory_space<vmem_shared>> -> memref<128x64xf32, #tpu.memory_space<vmem_shared>>
        %dma_start3A_77 = arith.constant 0 : i32
        %dma_start3A_78 = tpu.memref_slice %arg10[%add3A_74, %dma_start3A_77] : memref<10240x64xf32, #tpu.memory_space<vmem_shared>> -> memref<128x64xf32, #tpu.memory_space<vmem_shared>>
        tpu.enqueue_dma source(%dma_start3A_78 : memref<128x64xf32, #tpu.memory_space<vmem_shared>>) target(%arg9 : memref<128x64xf32, #tpu.memory_space<vmem>>) target_semaphore(%run_scoped3A : memref<!tpu.dma_semaphore, #tpu.memory_space<semaphore_mem>>)
        %dma_wait3A = arith.constant 0 : i32
        %dma_wait3A_79 = tpu.memref_slice %arg10[%add3A_74, %dma_wait3A] : memref<10240x64xf32, #tpu.memory_space<vmem_shared>> -> memref<128x64xf32, #tpu.memory_space<vmem_shared>>
        %dma_wait3A_80 = arith.constant 0 : i32
        %dma_wait3A_81 = tpu.memref_slice %arg10[%add3A_74, %dma_wait3A_80] : memref<10240x64xf32, #tpu.memory_space<vmem_shared>> -> memref<128x64xf32, #tpu.memory_space<vmem_shared>>
        tpu.wait_dma2 semaphore(%run_scoped3A : memref<!tpu.dma_semaphore, #tpu.memory_space<semaphore_mem>>) src(%dma_wait3A_81 : memref<128x64xf32, #tpu.memory_space<vmem_shared>>) dst(%arg9 : memref<128x64xf32, #tpu.memory_space<vmem>>)
        tpu.yield
      }) : () -> ()
      "tpu.region"() ({
        %run_scoped3A = tpu.sem_alloc : memref<!tpu.dma_semaphore, #tpu.memory_space<semaphore_mem>>
        %dma_start3A_75 = arith.constant 0 : i32
        %dma_start3A_76 = tpu.memref_slice %arg5[%arg0, %add3A_74, %dma_start3A_75] : memref<2x10240x64xf32, #tpu.memory_space<hbm>> -> memref<1x128x64xf32, #tpu.memory_space<hbm>>
        %dma_start3A_77 = tpu.memref_squeeze %dma_start3A_76 : memref<1x128x64xf32, #tpu.memory_space<hbm>> -> memref<128x64xf32, #tpu.memory_space<hbm>>
        %dma_start3A_78 = arith.constant 0 : i32
        %dma_start3A_79 = tpu.memref_slice %arg5[%arg0, %add3A_74, %dma_start3A_78] : memref<2x10240x64xf32, #tpu.memory_space<hbm>> -> memref<1x128x64xf32, #tpu.memory_space<hbm>>
        %dma_start3A_80 = tpu.memref_squeeze %dma_start3A_79 : memref<1x128x64xf32, #tpu.memory_space<hbm>> -> memref<128x64xf32, #tpu.memory_space<hbm>>
        tpu.enqueue_dma source(%arg9 : memref<128x64xf32, #tpu.memory_space<vmem>>) target(%dma_start3A_80 : memref<128x64xf32, #tpu.memory_space<hbm>>) target_semaphore(%run_scoped3A : memref<!tpu.dma_semaphore, #tpu.memory_space<semaphore_mem>>)
        %dma_wait3A = arith.constant 0 : i32
        %dma_wait3A_81 = tpu.memref_slice %arg5[%arg0, %add3A_74, %dma_wait3A] : memref<2x10240x64xf32, #tpu.memory_space<hbm>> -> memref<1x128x64xf32, #tpu.memory_space<hbm>>
        %dma_wait3A_82 = tpu.memref_squeeze %dma_wait3A_81 : memref<1x128x64xf32, #tpu.memory_space<hbm>> -> memref<128x64xf32, #tpu.memory_space<hbm>>
        %dma_wait3A_83 = arith.constant 0 : i32
        %dma_wait3A_84 = tpu.memref_slice %arg5[%arg0, %add3A_74, %dma_wait3A_83] : memref<2x10240x64xf32, #tpu.memory_space<hbm>> -> memref<1x128x64xf32, #tpu.memory_space<hbm>>
        %dma_wait3A_85 = tpu.memref_squeeze %dma_wait3A_84 : memref<1x128x64xf32, #tpu.memory_space<hbm>> -> memref<128x64xf32, #tpu.memory_space<hbm>>
        tpu.wait_dma2 semaphore(%run_scoped3A : memref<!tpu.dma_semaphore, #tpu.memory_space<semaphore_mem>>) src(%arg9 : memref<128x64xf32, #tpu.memory_space<vmem>>) dst(%dma_wait3A_85 : memref<128x64xf32, #tpu.memory_space<hbm>>)
        tpu.yield
      }) : () -> ()
    }
    %scan3A_68 = arith.constant 5 : i32
    return
  }
}

#map = affine_map<(d0, d1) -> (0, 0)>
#map1 = affine_map<(d0, d1) -> (0, 0, 0)>
module attributes {stable_mosaic.version = 14 : i64} {
  func.func @_sc_agg_body(%arg0: i32, %arg1: i32, %arg2: memref<10000x64xf32, #tpu.memory_space<hbm>>, %arg3: memref<32x79x128xi32, #tpu.memory_space<hbm>>, %arg4: memref<32x79x128xi32, #tpu.memory_space<hbm>>, %arg5: memref<2x10240x64xf32, #tpu.memory_space<hbm>>, %arg6: memref<79x128xi32, #tpu.memory_space<vmem>>, %arg7: memref<79x128xi32, #tpu.memory_space<vmem>>, %arg8: memref<4x128x64xf32, #tpu.memory_space<vmem>>, %arg9: memref<128x64xf32, #tpu.memory_space<vmem>>, %arg10: memref<10240x64xf32, #tpu.memory_space<vmem_shared>>, %arg11: memref<4x!tpu.dma_semaphore, #tpu.memory_space<semaphore_mem>>) attributes {dimension_semantics = [#tpu.dimension_semantics<core_parallel>, #tpu.dimension_semantics<subcore_parallel>], iteration_bounds = array<i64: 2, 16>, scalar_prefetch = 0 : i64, scratch_operands = 6 : i64, tpu.core_type = #tpu.core_type<sc_vector_subcore>, window_params = [{transform_indices = #map}, {transform_indices = #map1}, {transform_indices = #map1}, {transform_indices = #map1}]} {
    %mul3A = arith.constant 16 : i32
    %mul3A_0 = arith.muli %arg0, %mul3A : i32
    %add3A = arith.addi %mul3A_0, %arg1 : i32
    %scan3A = arith.constant 0 : i32
    %scan3A_1 = arith.constant 0 : i32
    %scan3A_2 = arith.constant 512 : i32
    %scan3A_3 = arith.addi %scan3A_1, %scan3A_2 : i32
    %scan3A_4 = arith.constant 1 : i32
    scf.for %scan3A_69 = %scan3A_1 to %scan3A_3 step %scan3A_4  : i32 {
      %broadcast_in_dim3A = arith.constant 0.000000e+00 : f32
      %broadcast_in_dim3A_70 = vector.broadcast %broadcast_in_dim3A : f32 to vector<16xf32>
      %jit3A = arith.constant 4 : i32
      %div3A = arith.divsi %scan3A_69, %jit3A : i32
      %sign3A = arith.constant 0 : i32
      %sign3A_71 = arith.cmpi sgt, %scan3A_69, %sign3A : i32
      %sign3A_72 = arith.extui %sign3A_71 : i1 to i32
      %sign3A_73 = arith.constant 0 : i32
      %sign3A_74 = arith.cmpi slt, %scan3A_69, %sign3A_73 : i32
      %sign3A_75 = arith.extui %sign3A_74 : i1 to i32
      %sign3A_76 = arith.subi %sign3A_72, %sign3A_75 : i32
      %sign3A_77 = arith.constant 0 : i32
      %sign3A_78 = arith.cmpi sgt, %jit3A, %sign3A_77 : i32
      %sign3A_79 = arith.extui %sign3A_78 : i1 to i32
      %sign3A_80 = arith.constant 0 : i32
      %sign3A_81 = arith.cmpi slt, %jit3A, %sign3A_80 : i32
      %sign3A_82 = arith.extui %sign3A_81 : i1 to i32
      %sign3A_83 = arith.subi %sign3A_79, %sign3A_82 : i32
      %ne3A = arith.cmpi ne, %sign3A_76, %sign3A_83 : i32
      %rem3A = arith.remsi %scan3A_69, %jit3A : i32
      %ne3A_84 = arith.constant 0 : i32
      %ne3A_85 = arith.cmpi ne, %rem3A, %ne3A_84 : i32
      %and3A = arith.andi %ne3A, %ne3A_85 : i1
      %sub3A = arith.constant 1 : i32
      %sub3A_86 = arith.subi %div3A, %sub3A : i32
      %select_n3A = arith.select %and3A, %sub3A_86, %div3A : i32
      %jit3A_87 = arith.constant 4 : i32
      %eq3A = arith.constant 0 : i32
      %eq3A_88 = arith.cmpi eq, %jit3A_87, %eq3A : i32
      %jit3A_89 = arith.constant 1 : i32
      %select_n3A_90 = arith.select %eq3A_88, %jit3A_89, %jit3A_87 : i32
      %rem3A_91 = arith.remsi %scan3A_69, %select_n3A_90 : i32
      %ne3A_92 = arith.constant 0 : i32
      %ne3A_93 = arith.cmpi ne, %rem3A_91, %ne3A_92 : i32
      %lt3A = arith.constant 0 : i32
      %lt3A_94 = arith.cmpi slt, %rem3A_91, %lt3A : i32
      %lt3A_95 = arith.constant 0 : i32
      %lt3A_96 = arith.cmpi slt, %select_n3A_90, %lt3A_95 : i32
      %ne3A_97 = arith.xori %lt3A_94, %lt3A_96 : i1
      %and3A_98 = arith.andi %ne3A_97, %ne3A_93 : i1
      %add3A_99 = arith.addi %rem3A_91, %select_n3A_90 : i32
      %select_n3A_100 = arith.select %and3A_98, %add3A_99, %rem3A_91 : i32
      %mul3A_101 = arith.constant 16 : i32
      %mul3A_102 = arith.muli %select_n3A_100, %mul3A_101 : i32
      %swap3A = arith.index_cast %select_n3A : i32 to index
      %swap3A_103 = arith.index_cast %mul3A_102 : i32 to index
      %swap3A_104 = tpu.vector_load %arg9[%swap3A, %swap3A_103] {strides = array<i32>} : memref<128x64xf32, #tpu.memory_space<vmem>>, vector<1x16xf32>,
      %swap3A_105 = vector.shape_cast %swap3A_104 : vector<1x16xf32> to vector<16xf32>
      %swap3A_106 = vector.shape_cast %broadcast_in_dim3A_70 : vector<16xf32> to vector<1x16xf32>
      tpu.vector_store %arg9[%swap3A, %swap3A_103], %swap3A_106 {strides = array<i32>} : memref<128x64xf32, #tpu.memory_space<vmem>>, vector<1x16xf32>,
    }
    %scan3A_5 = arith.constant 512 : i32
    %scan3A_6 = arith.constant 0 : i32
    %scan3A_7 = arith.constant 0 : i32
    %scan3A_8 = arith.constant 5 : i32
    %scan3A_9 = arith.addi %scan3A_7, %scan3A_8 : i32
    %scan3A_10 = arith.constant 1 : i32
    scf.for %scan3A_69 = %scan3A_7 to %scan3A_9 step %scan3A_10  : i32 {
      %mul3A_70 = arith.constant 640 : i32
      %mul3A_71 = arith.muli %arg1, %mul3A_70 : i32
      %mul3A_72 = arith.constant 128 : i32
      %mul3A_73 = arith.muli %scan3A_69, %mul3A_72 : i32
      %add3A_74 = arith.addi %mul3A_71, %mul3A_73 : i32
      "tpu.region"() ({
        %run_scoped3A = tpu.sem_alloc : memref<!tpu.dma_semaphore, #tpu.memory_space<semaphore_mem>>
        %dma_start3A_75 = arith.constant 0 : i32
        %dma_start3A_76 = tpu.memref_slice %arg10[%add3A_74, %dma_start3A_75] : memref<10240x64xf32, #tpu.memory_space<vmem_shared>> -> memref<128x64xf32, #tpu.memory_space<vmem_shared>>
        %dma_start3A_77 = arith.constant 0 : i32
        %dma_start3A_78 = tpu.memref_slice %arg10[%add3A_74, %dma_start3A_77] : memref<10240x64xf32, #tpu.memory_space<vmem_shared>> -> memref<128x64xf32, #tpu.memory_space<vmem_shared>>
        tpu.enqueue_dma source(%arg9 : memref<128x64xf32, #tpu.memory_space<vmem>>) target(%dma_start3A_78 : memref<128x64xf32, #tpu.memory_space<vmem_shared>>) target_semaphore(%run_scoped3A : memref<!tpu.dma_semaphore, #tpu.memory_space<semaphore_mem>>)
        %dma_wait3A = arith.constant 0 : i32
        %dma_wait3A_79 = tpu.memref_slice %arg10[%add3A_74, %dma_wait3A] : memref<10240x64xf32, #tpu.memory_space<vmem_shared>> -> memref<128x64xf32, #tpu.memory_space<vmem_shared>>
        %dma_wait3A_80 = arith.constant 0 : i32
        %dma_wait3A_81 = tpu.memref_slice %arg10[%add3A_74, %dma_wait3A_80] : memref<10240x64xf32, #tpu.memory_space<vmem_shared>> -> memref<128x64xf32, #tpu.memory_space<vmem_shared>>
        tpu.wait_dma2 semaphore(%run_scoped3A : memref<!tpu.dma_semaphore, #tpu.memory_space<semaphore_mem>>) src(%arg9 : memref<128x64xf32, #tpu.memory_space<vmem>>) dst(%dma_wait3A_81 : memref<128x64xf32, #tpu.memory_space<vmem_shared>>)
        tpu.yield
      }) : () -> ()
    }
    %scan3A_11 = arith.constant 5 : i32
    %barrier3A = arith.constant 0 : index
    tpu.barrier barrier_id(%barrier3A)
    "tpu.region"() ({
      %run_scoped3A = tpu.sem_alloc : memref<!tpu.dma_semaphore, #tpu.memory_space<semaphore_mem>>
      %dma_start3A_69 = arith.constant 0 : i32
      %dma_start3A_70 = arith.constant 0 : i32
      %dma_start3A_71 = tpu.memref_slice %arg3[%add3A, %dma_start3A_69, %dma_start3A_70] : memref<32x79x128xi32, #tpu.memory_space<hbm>> -> memref<1x79x128xi32, #tpu.memory_space<hbm>>
      %dma_start3A_72 = tpu.memref_squeeze %dma_start3A_71 : memref<1x79x128xi32, #tpu.memory_space<hbm>> -> memref<79x128xi32, #tpu.memory_space<hbm>>
      %dma_start3A_73 = arith.constant 0 : i32
      %dma_start3A_74 = arith.constant 0 : i32
      %dma_start3A_75 = tpu.memref_slice %arg3[%add3A, %dma_start3A_73, %dma_start3A_74] : memref<32x79x128xi32, #tpu.memory_space<hbm>> -> memref<1x79x128xi32, #tpu.memory_space<hbm>>
      %dma_start3A_76 = tpu.memref_squeeze %dma_start3A_75 : memref<1x79x128xi32, #tpu.memory_space<hbm>> -> memref<79x128xi32, #tpu.memory_space<hbm>>
      tpu.enqueue_dma source(%dma_start3A_76 : memref<79x128xi32, #tpu.memory_space<hbm>>) target(%arg6 : memref<79x128xi32, #tpu.memory_space<vmem>>) target_semaphore(%run_scoped3A : memref<!tpu.dma_semaphore, #tpu.memory_space<semaphore_mem>>)
      %dma_wait3A = arith.constant 0 : i32
      %dma_wait3A_77 = arith.constant 0 : i32
      %dma_wait3A_78 = tpu.memref_slice %arg3[%add3A, %dma_wait3A, %dma_wait3A_77] : memref<32x79x128xi32, #tpu.memory_space<hbm>> -> memref<1x79x128xi32, #tpu.memory_space<hbm>>
      %dma_wait3A_79 = tpu.memref_squeeze %dma_wait3A_78 : memref<1x79x128xi32, #tpu.memory_space<hbm>> -> memref<79x128xi32, #tpu.memory_space<hbm>>
      %dma_wait3A_80 = arith.constant 0 : i32
      %dma_wait3A_81 = arith.constant 0 : i32
      %dma_wait3A_82 = tpu.memref_slice %arg3[%add3A, %dma_wait3A_80, %dma_wait3A_81] : memref<32x79x128xi32, #tpu.memory_space<hbm>> -> memref<1x79x128xi32, #tpu.memory_space<hbm>>
      %dma_wait3A_83 = tpu.memref_squeeze %dma_wait3A_82 : memref<1x79x128xi32, #tpu.memory_space<hbm>> -> memref<79x128xi32, #tpu.memory_space<hbm>>
      tpu.wait_dma2 semaphore(%run_scoped3A : memref<!tpu.dma_semaphore, #tpu.memory_space<semaphore_mem>>) src(%dma_wait3A_83 : memref<79x128xi32, #tpu.memory_space<hbm>>) dst(%arg6 : memref<79x128xi32, #tpu.memory_space<vmem>>)
      tpu.yield
    }) : () -> ()
    "tpu.region"() ({
      %run_scoped3A = tpu.sem_alloc : memref<!tpu.dma_semaphore, #tpu.memory_space<semaphore_mem>>
      %dma_start3A_69 = arith.constant 0 : i32
      %dma_start3A_70 = arith.constant 0 : i32
      %dma_start3A_71 = tpu.memref_slice %arg4[%add3A, %dma_start3A_69, %dma_start3A_70] : memref<32x79x128xi32, #tpu.memory_space<hbm>> -> memref<1x79x128xi32, #tpu.memory_space<hbm>>
      %dma_start3A_72 = tpu.memref_squeeze %dma_start3A_71 : memref<1x79x128xi32, #tpu.memory_space<hbm>> -> memref<79x128xi32, #tpu.memory_space<hbm>>
      %dma_start3A_73 = arith.constant 0 : i32
      %dma_start3A_74 = arith.constant 0 : i32
      %dma_start3A_75 = tpu.memref_slice %arg4[%add3A, %dma_start3A_73, %dma_start3A_74] : memref<32x79x128xi32, #tpu.memory_space<hbm>> -> memref<1x79x128xi32, #tpu.memory_space<hbm>>
      %dma_start3A_76 = tpu.memref_squeeze %dma_start3A_75 : memref<1x79x128xi32, #tpu.memory_space<hbm>> -> memref<79x128xi32, #tpu.memory_space<hbm>>
      tpu.enqueue_dma source(%dma_start3A_76 : memref<79x128xi32, #tpu.memory_space<hbm>>) target(%arg7 : memref<79x128xi32, #tpu.memory_space<vmem>>) target_semaphore(%run_scoped3A : memref<!tpu.dma_semaphore, #tpu.memory_space<semaphore_mem>>)
      %dma_wait3A = arith.constant 0 : i32
      %dma_wait3A_77 = arith.constant 0 : i32
      %dma_wait3A_78 = tpu.memref_slice %arg4[%add3A, %dma_wait3A, %dma_wait3A_77] : memref<32x79x128xi32, #tpu.memory_space<hbm>> -> memref<1x79x128xi32, #tpu.memory_space<hbm>>
      %dma_wait3A_79 = tpu.memref_squeeze %dma_wait3A_78 : memref<1x79x128xi32, #tpu.memory_space<hbm>> -> memref<79x128xi32, #tpu.memory_space<hbm>>
      %dma_wait3A_80 = arith.constant 0 : i32
      %dma_wait3A_81 = arith.constant 0 : i32
      %dma_wait3A_82 = tpu.memref_slice %arg4[%add3A, %dma_wait3A_80, %dma_wait3A_81] : memref<32x79x128xi32, #tpu.memory_space<hbm>> -> memref<1x79x128xi32, #tpu.memory_space<hbm>>
      %dma_wait3A_83 = tpu.memref_squeeze %dma_wait3A_82 : memref<1x79x128xi32, #tpu.memory_space<hbm>> -> memref<79x128xi32, #tpu.memory_space<hbm>>
      tpu.wait_dma2 semaphore(%run_scoped3A : memref<!tpu.dma_semaphore, #tpu.memory_space<semaphore_mem>>) src(%dma_wait3A_83 : memref<79x128xi32, #tpu.memory_space<hbm>>) dst(%arg7 : memref<79x128xi32, #tpu.memory_space<vmem>>)
      tpu.yield
    }) : () -> ()
    %dma_start3A = arith.constant 0 : i32
    %dma_start3A_12 = arith.constant 0 : i32
    %dma_start3A_13 = arith.constant 0 : i32
    %dma_start3A_14 = arith.constant 0 : i32
    %dma_start3A_15 = arith.constant 0 : i32
    %dma_start3A_16 = tpu.memref_slice %arg8[%dma_start3A_12, %dma_start3A_14, %dma_start3A_15] : memref<4x128x64xf32, #tpu.memory_space<vmem>> -> memref<1x128x64xf32, #tpu.memory_space<vmem>>
    %dma_start3A_17 = tpu.memref_squeeze %dma_start3A_16 : memref<1x128x64xf32, #tpu.memory_space<vmem>> -> memref<128x64xf32, #tpu.memory_space<vmem>>
    %dma_start3A_18 = arith.constant 0 : i32
    %dma_start3A_19 = tpu.memref_slice %arg6[%dma_start3A, %dma_start3A_18] : memref<79x128xi32, #tpu.memory_space<vmem>> -> memref<1x128xi32, #tpu.memory_space<vmem>>
    %dma_start3A_20 = tpu.memref_squeeze %dma_start3A_19 : memref<1x128xi32, #tpu.memory_space<vmem>> -> memref<128xi32, #tpu.memory_space<vmem>>
    %dma_start3A_21 = arith.constant 0 : i32
    %dma_start3A_22 = arith.constant 0 : i32
    %dma_start3A_23 = tpu.memref_slice %arg2[%dma_start3A_21, %dma_start3A_22] : memref<10000x64xf32, #tpu.memory_space<hbm>> -> memref<10000x64xf32, #tpu.memory_space<hbm>>
    %dma_start3A_24 = tpu.memref_slice %arg11[%dma_start3A_13] : memref<4x!tpu.dma_semaphore, #tpu.memory_space<semaphore_mem>> -> memref<1x!tpu.dma_semaphore, #tpu.memory_space<semaphore_mem>>
    %dma_start3A_25 = tpu.memref_squeeze %dma_start3A_24 : memref<1x!tpu.dma_semaphore, #tpu.memory_space<semaphore_mem>> -> memref<!tpu.dma_semaphore, #tpu.memory_space<semaphore_mem>>
    tpu.enqueue_indirect_dma source(%dma_start3A_23 : memref<10000x64xf32, #tpu.memory_space<hbm>>) target(%dma_start3A_17 : memref<128x64xf32, #tpu.memory_space<vmem>>) offsets(%dma_start3A_20 : memref<128xi32, #tpu.memory_space<vmem>>) semaphore(%dma_start3A_25 : memref<!tpu.dma_semaphore, #tpu.memory_space<semaphore_mem>>)
    %dma_start3A_26 = arith.constant 1 : i32
    %dma_start3A_27 = arith.constant 1 : i32
    %dma_start3A_28 = arith.constant 1 : i32
    %dma_start3A_29 = arith.constant 0 : i32
    %dma_start3A_30 = arith.constant 0 : i32
    %dma_start3A_31 = tpu.memref_slice %arg8[%dma_start3A_27, %dma_start3A_29, %dma_start3A_30] : memref<4x128x64xf32, #tpu.memory_space<vmem>> -> memref<1x128x64xf32, #tpu.memory_space<vmem>>
    %dma_start3A_32 = tpu.memref_squeeze %dma_start3A_31 : memref<1x128x64xf32, #tpu.memory_space<vmem>> -> memref<128x64xf32, #tpu.memory_space<vmem>>
    %dma_start3A_33 = arith.constant 0 : i32
    %dma_start3A_34 = tpu.memref_slice %arg6[%dma_start3A_26, %dma_start3A_33] : memref<79x128xi32, #tpu.memory_space<vmem>> -> memref<1x128xi32, #tpu.memory_space<vmem>>
    %dma_start3A_35 = tpu.memref_squeeze %dma_start3A_34 : memref<1x128xi32, #tpu.memory_space<vmem>> -> memref<128xi32, #tpu.memory_space<vmem>>
    %dma_start3A_36 = arith.constant 0 : i32
    %dma_start3A_37 = arith.constant 0 : i32
    %dma_start3A_38 = tpu.memref_slice %arg2[%dma_start3A_36, %dma_start3A_37] : memref<10000x64xf32, #tpu.memory_space<hbm>> -> memref<10000x64xf32, #tpu.memory_space<hbm>>
    %dma_start3A_39 = tpu.memref_slice %arg11[%dma_start3A_28] : memref<4x!tpu.dma_semaphore, #tpu.memory_space<semaphore_mem>> -> memref<1x!tpu.dma_semaphore, #tpu.memory_space<semaphore_mem>>
    %dma_start3A_40 = tpu.memref_squeeze %dma_start3A_39 : memref<1x!tpu.dma_semaphore, #tpu.memory_space<semaphore_mem>> -> memref<!tpu.dma_semaphore, #tpu.memory_space<semaphore_mem>>
    tpu.enqueue_indirect_dma source(%dma_start3A_38 : memref<10000x64xf32, #tpu.memory_space<hbm>>) target(%dma_start3A_32 : memref<128x64xf32, #tpu.memory_space<vmem>>) offsets(%dma_start3A_35 : memref<128xi32, #tpu.memory_space<vmem>>) semaphore(%dma_start3A_40 : memref<!tpu.dma_semaphore, #tpu.memory_space<semaphore_mem>>)
    %dma_start3A_41 = arith.constant 2 : i32
    %dma_start3A_42 = arith.constant 2 : i32
    %dma_start3A_43 = arith.constant 2 : i32
    %dma_start3A_44 = arith.constant 0 : i32
    %dma_start3A_45 = arith.constant 0 : i32
    %dma_start3A_46 = tpu.memref_slice %arg8[%dma_start3A_42, %dma_start3A_44, %dma_start3A_45] : memref<4x128x64xf32, #tpu.memory_space<vmem>> -> memref<1x128x64xf32, #tpu.memory_space<vmem>>
    %dma_start3A_47 = tpu.memref_squeeze %dma_start3A_46 : memref<1x128x64xf32, #tpu.memory_space<vmem>> -> memref<128x64xf32, #tpu.memory_space<vmem>>
    %dma_start3A_48 = arith.constant 0 : i32
    %dma_start3A_49 = tpu.memref_slice %arg6[%dma_start3A_41, %dma_start3A_48] : memref<79x128xi32, #tpu.memory_space<vmem>> -> memref<1x128xi32, #tpu.memory_space<vmem>>
    %dma_start3A_50 = tpu.memref_squeeze %dma_start3A_49 : memref<1x128xi32, #tpu.memory_space<vmem>> -> memref<128xi32, #tpu.memory_space<vmem>>
    %dma_start3A_51 = arith.constant 0 : i32
    %dma_start3A_52 = arith.constant 0 : i32
    %dma_start3A_53 = tpu.memref_slice %arg2[%dma_start3A_51, %dma_start3A_52] : memref<10000x64xf32, #tpu.memory_space<hbm>> -> memref<10000x64xf32, #tpu.memory_space<hbm>>
    %dma_start3A_54 = tpu.memref_slice %arg11[%dma_start3A_43] : memref<4x!tpu.dma_semaphore, #tpu.memory_space<semaphore_mem>> -> memref<1x!tpu.dma_semaphore, #tpu.memory_space<semaphore_mem>>
    %dma_start3A_55 = tpu.memref_squeeze %dma_start3A_54 : memref<1x!tpu.dma_semaphore, #tpu.memory_space<semaphore_mem>> -> memref<!tpu.dma_semaphore, #tpu.memory_space<semaphore_mem>>
    tpu.enqueue_indirect_dma source(%dma_start3A_53 : memref<10000x64xf32, #tpu.memory_space<hbm>>) target(%dma_start3A_47 : memref<128x64xf32, #tpu.memory_space<vmem>>) offsets(%dma_start3A_50 : memref<128xi32, #tpu.memory_space<vmem>>) semaphore(%dma_start3A_55 : memref<!tpu.dma_semaphore, #tpu.memory_space<semaphore_mem>>)
    %scan3A_56 = arith.constant 0 : i32
    %scan3A_57 = arith.constant 0 : i32
    %scan3A_58 = arith.constant 79 : i32
    %scan3A_59 = arith.addi %scan3A_57, %scan3A_58 : i32
    %scan3A_60 = arith.constant 1 : i32
    scf.for %scan3A_69 = %scan3A_57 to %scan3A_59 step %scan3A_60  : i32 {
      %rem3A = arith.constant 4 : i32
      %rem3A_70 = arith.remsi %scan3A_69, %rem3A : i32
      %add3A_71 = arith.constant 3 : i32
      %add3A_72 = arith.addi %scan3A_69, %add3A_71 : i32
      %lt3A = arith.constant 79 : i32
      %lt3A_73 = arith.cmpi slt, %add3A_72, %lt3A : i32
      %convert_element_type3A = arith.extui %lt3A_73 : i1 to i32
      %cond3A = arith.constant 0 : i32
      %cond3A_74 = arith.cmpi ne, %convert_element_type3A, %cond3A : i32
      scf.if %cond3A_74 {
        %add3A_86 = arith.constant 3 : i32
        %add3A_87 = arith.addi %scan3A_69, %add3A_86 : i32
        %rem3A_88 = arith.constant 4 : i32
        %rem3A_89 = arith.remsi %add3A_87, %rem3A_88 : i32
        %add3A_90 = arith.constant 3 : i32
        %add3A_91 = arith.addi %scan3A_69, %add3A_90 : i32
        %dma_start3A_92 = arith.constant 0 : i32
        %dma_start3A_93 = arith.constant 0 : i32
        %dma_start3A_94 = tpu.memref_slice %arg8[%rem3A_89, %dma_start3A_92, %dma_start3A_93] : memref<4x128x64xf32, #tpu.memory_space<vmem>> -> memref<1x128x64xf32, #tpu.memory_space<vmem>>
        %dma_start3A_95 = tpu.memref_squeeze %dma_start3A_94 : memref<1x128x64xf32, #tpu.memory_space<vmem>> -> memref<128x64xf32, #tpu.memory_space<vmem>>
        %dma_start3A_96 = arith.constant 0 : i32
        %dma_start3A_97 = tpu.memref_slice %arg6[%add3A_91, %dma_start3A_96] : memref<79x128xi32, #tpu.memory_space<vmem>> -> memref<1x128xi32, #tpu.memory_space<vmem>>
        %dma_start3A_98 = tpu.memref_squeeze %dma_start3A_97 : memref<1x128xi32, #tpu.memory_space<vmem>> -> memref<128xi32, #tpu.memory_space<vmem>>
        %dma_start3A_99 = arith.constant 0 : i32
        %dma_start3A_100 = arith.constant 0 : i32
        %dma_start3A_101 = tpu.memref_slice %arg2[%dma_start3A_99, %dma_start3A_100] : memref<10000x64xf32, #tpu.memory_space<hbm>> -> memref<10000x64xf32, #tpu.memory_space<hbm>>
        %dma_start3A_102 = tpu.memref_slice %arg11[%rem3A_89] : memref<4x!tpu.dma_semaphore, #tpu.memory_space<semaphore_mem>> -> memref<1x!tpu.dma_semaphore, #tpu.memory_space<semaphore_mem>>
        %dma_start3A_103 = tpu.memref_squeeze %dma_start3A_102 : memref<1x!tpu.dma_semaphore, #tpu.memory_space<semaphore_mem>> -> memref<!tpu.dma_semaphore, #tpu.memory_space<semaphore_mem>>
        tpu.enqueue_indirect_dma source(%dma_start3A_101 : memref<10000x64xf32, #tpu.memory_space<hbm>>) target(%dma_start3A_95 : memref<128x64xf32, #tpu.memory_space<vmem>>) offsets(%dma_start3A_98 : memref<128xi32, #tpu.memory_space<vmem>>) semaphore(%dma_start3A_103 : memref<!tpu.dma_semaphore, #tpu.memory_space<semaphore_mem>>)
      } else {
      }
      %dma_wait3A = arith.constant 0 : i32
      %dma_wait3A_75 = arith.constant 0 : i32
      %dma_wait3A_76 = tpu.memref_slice %arg8[%rem3A_70, %dma_wait3A, %dma_wait3A_75] : memref<4x128x64xf32, #tpu.memory_space<vmem>> -> memref<1x128x64xf32, #tpu.memory_space<vmem>>
      %dma_wait3A_77 = tpu.memref_squeeze %dma_wait3A_76 : memref<1x128x64xf32, #tpu.memory_space<vmem>> -> memref<128x64xf32, #tpu.memory_space<vmem>>
      %dma_wait3A_78 = arith.constant 0 : i32
      %dma_wait3A_79 = tpu.memref_slice %arg6[%scan3A_69, %dma_wait3A_78] : memref<79x128xi32, #tpu.memory_space<vmem>> -> memref<1x128xi32, #tpu.memory_space<vmem>>
      %dma_wait3A_80 = tpu.memref_squeeze %dma_wait3A_79 : memref<1x128xi32, #tpu.memory_space<vmem>> -> memref<128xi32, #tpu.memory_space<vmem>>
      %dma_wait3A_81 = arith.constant 0 : i32
      %dma_wait3A_82 = arith.constant 0 : i32
      %dma_wait3A_83 = tpu.memref_slice %arg2[%dma_wait3A_81, %dma_wait3A_82] : memref<10000x64xf32, #tpu.memory_space<hbm>> -> memref<10000x64xf32, #tpu.memory_space<hbm>>
      %dma_wait3A_84 = tpu.memref_slice %arg11[%rem3A_70] : memref<4x!tpu.dma_semaphore, #tpu.memory_space<semaphore_mem>> -> memref<1x!tpu.dma_semaphore, #tpu.memory_space<semaphore_mem>>
      %dma_wait3A_85 = tpu.memref_squeeze %dma_wait3A_84 : memref<1x!tpu.dma_semaphore, #tpu.memory_space<semaphore_mem>> -> memref<!tpu.dma_semaphore, #tpu.memory_space<semaphore_mem>>
      tpu.wait_indirect_dma semaphore(%dma_wait3A_85 : memref<!tpu.dma_semaphore, #tpu.memory_space<semaphore_mem>>) src(%dma_wait3A_83 : memref<10000x64xf32, #tpu.memory_space<hbm>>) dst(%dma_wait3A_77 : memref<128x64xf32, #tpu.memory_space<vmem>>)
      "tpu.region"() ({
        %run_scoped3A = tpu.sem_alloc : memref<!tpu.dma_semaphore, #tpu.memory_space<semaphore_mem>>
        %dma_start3A_86 = arith.constant 0 : i32
        %dma_start3A_87 = arith.constant 0 : i32
        %dma_start3A_88 = tpu.memref_slice %arg8[%rem3A_70, %dma_start3A_86, %dma_start3A_87] : memref<4x128x64xf32, #tpu.memory_space<vmem>> -> memref<1x128x64xf32, #tpu.memory_space<vmem>>
        %dma_start3A_89 = tpu.memref_squeeze %dma_start3A_88 : memref<1x128x64xf32, #tpu.memory_space<vmem>> -> memref<128x64xf32, #tpu.memory_space<vmem>>
        %dma_start3A_90 = arith.constant 0 : i32
        %dma_start3A_91 = tpu.memref_slice %arg7[%scan3A_69, %dma_start3A_90] : memref<79x128xi32, #tpu.memory_space<vmem>> -> memref<1x128xi32, #tpu.memory_space<vmem>>
        %dma_start3A_92 = tpu.memref_squeeze %dma_start3A_91 : memref<1x128xi32, #tpu.memory_space<vmem>> -> memref<128xi32, #tpu.memory_space<vmem>>
        %dma_start3A_93 = arith.constant 0 : i32
        %dma_start3A_94 = arith.constant 0 : i32
        %dma_start3A_95 = tpu.memref_slice %arg10[%dma_start3A_93, %dma_start3A_94] : memref<10240x64xf32, #tpu.memory_space<vmem_shared>> -> memref<10240x64xf32, #tpu.memory_space<vmem_shared>>
        tpu.enqueue_indirect_dma source(%dma_start3A_89 : memref<128x64xf32, #tpu.memory_space<vmem>>) target(%dma_start3A_95 : memref<10240x64xf32, #tpu.memory_space<vmem_shared>>) offsets(%dma_start3A_92 : memref<128xi32, #tpu.memory_space<vmem>>) semaphore(%run_scoped3A : memref<!tpu.dma_semaphore, #tpu.memory_space<semaphore_mem>>) {add = true}
        %dma_wait3A_96 = arith.constant 0 : i32
        %dma_wait3A_97 = arith.constant 0 : i32
        %dma_wait3A_98 = tpu.memref_slice %arg8[%rem3A_70, %dma_wait3A_96, %dma_wait3A_97] : memref<4x128x64xf32, #tpu.memory_space<vmem>> -> memref<1x128x64xf32, #tpu.memory_space<vmem>>
        %dma_wait3A_99 = tpu.memref_squeeze %dma_wait3A_98 : memref<1x128x64xf32, #tpu.memory_space<vmem>> -> memref<128x64xf32, #tpu.memory_space<vmem>>
        %dma_wait3A_100 = arith.constant 0 : i32
        %dma_wait3A_101 = tpu.memref_slice %arg7[%scan3A_69, %dma_wait3A_100] : memref<79x128xi32, #tpu.memory_space<vmem>> -> memref<1x128xi32, #tpu.memory_space<vmem>>
        %dma_wait3A_102 = tpu.memref_squeeze %dma_wait3A_101 : memref<1x128xi32, #tpu.memory_space<vmem>> -> memref<128xi32, #tpu.memory_space<vmem>>
        %dma_wait3A_103 = arith.constant 0 : i32
        %dma_wait3A_104 = arith.constant 0 : i32
        %dma_wait3A_105 = tpu.memref_slice %arg10[%dma_wait3A_103, %dma_wait3A_104] : memref<10240x64xf32, #tpu.memory_space<vmem_shared>> -> memref<10240x64xf32, #tpu.memory_space<vmem_shared>>
        tpu.wait_indirect_dma semaphore(%run_scoped3A : memref<!tpu.dma_semaphore, #tpu.memory_space<semaphore_mem>>) src(%dma_wait3A_99 : memref<128x64xf32, #tpu.memory_space<vmem>>) dst(%dma_wait3A_105 : memref<10240x64xf32, #tpu.memory_space<vmem_shared>>)
        tpu.yield
      }) : () -> ()
    }
    %scan3A_61 = arith.constant 79 : i32
    %barrier3A_62 = arith.constant 0 : index
    tpu.barrier barrier_id(%barrier3A_62)
    %scan3A_63 = arith.constant 0 : i32
    %scan3A_64 = arith.constant 0 : i32
    %scan3A_65 = arith.constant 5 : i32
    %scan3A_66 = arith.addi %scan3A_64, %scan3A_65 : i32
    %scan3A_67 = arith.constant 1 : i32
    scf.for %scan3A_69 = %scan3A_64 to %scan3A_66 step %scan3A_67  : i32 {
      %mul3A_70 = arith.constant 640 : i32
      %mul3A_71 = arith.muli %arg1, %mul3A_70 : i32
      %mul3A_72 = arith.constant 128 : i32
      %mul3A_73 = arith.muli %scan3A_69, %mul3A_72 : i32
      %add3A_74 = arith.addi %mul3A_71, %mul3A_73 : i32
      "tpu.region"() ({
        %run_scoped3A = tpu.sem_alloc : memref<!tpu.dma_semaphore, #tpu.memory_space<semaphore_mem>>
        %dma_start3A_75 = arith.constant 0 : i32
        %dma_start3A_76 = tpu.memref_slice %arg10[%add3A_74, %dma_start3A_75] : memref<10240x64xf32, #tpu.memory_space<vmem_shared>> -> memref<128x64xf32, #tpu.memory_space<vmem_shared>>
        %dma_start3A_77 = arith.constant 0 : i32
        %dma_start3A_78 = tpu.memref_slice %arg10[%add3A_74, %dma_start3A_77] : memref<10240x64xf32, #tpu.memory_space<vmem_shared>> -> memref<128x64xf32, #tpu.memory_space<vmem_shared>>
        tpu.enqueue_dma source(%dma_start3A_78 : memref<128x64xf32, #tpu.memory_space<vmem_shared>>) target(%arg9 : memref<128x64xf32, #tpu.memory_space<vmem>>) target_semaphore(%run_scoped3A : memref<!tpu.dma_semaphore, #tpu.memory_space<semaphore_mem>>)
        %dma_wait3A = arith.constant 0 : i32
        %dma_wait3A_79 = tpu.memref_slice %arg10[%add3A_74, %dma_wait3A] : memref<10240x64xf32, #tpu.memory_space<vmem_shared>> -> memref<128x64xf32, #tpu.memory_space<vmem_shared>>
        %dma_wait3A_80 = arith.constant 0 : i32
        %dma_wait3A_81 = tpu.memref_slice %arg10[%add3A_74, %dma_wait3A_80] : memref<10240x64xf32, #tpu.memory_space<vmem_shared>> -> memref<128x64xf32, #tpu.memory_space<vmem_shared>>
        tpu.wait_dma2 semaphore(%run_scoped3A : memref<!tpu.dma_semaphore, #tpu.memory_space<semaphore_mem>>) src(%dma_wait3A_81 : memref<128x64xf32, #tpu.memory_space<vmem_shared>>) dst(%arg9 : memref<128x64xf32, #tpu.memory_space<vmem>>)
        tpu.yield
      }) : () -> ()
      "tpu.region"() ({
        %run_scoped3A = tpu.sem_alloc : memref<!tpu.dma_semaphore, #tpu.memory_space<semaphore_mem>>
        %dma_start3A_75 = arith.constant 0 : i32
        %dma_start3A_76 = tpu.memref_slice %arg5[%arg0, %add3A_74, %dma_start3A_75] : memref<2x10240x64xf32, #tpu.memory_space<hbm>> -> memref<1x128x64xf32, #tpu.memory_space<hbm>>
        %dma_start3A_77 = tpu.memref_squeeze %dma_start3A_76 : memref<1x128x64xf32, #tpu.memory_space<hbm>> -> memref<128x64xf32, #tpu.memory_space<hbm>>
        %dma_start3A_78 = arith.constant 0 : i32
        %dma_start3A_79 = tpu.memref_slice %arg5[%arg0, %add3A_74, %dma_start3A_78] : memref<2x10240x64xf32, #tpu.memory_space<hbm>> -> memref<1x128x64xf32, #tpu.memory_space<hbm>>
        %dma_start3A_80 = tpu.memref_squeeze %dma_start3A_79 : memref<1x128x64xf32, #tpu.memory_space<hbm>> -> memref<128x64xf32, #tpu.memory_space<hbm>>
        tpu.enqueue_dma source(%arg9 : memref<128x64xf32, #tpu.memory_space<vmem>>) target(%dma_start3A_80 : memref<128x64xf32, #tpu.memory_space<hbm>>) target_semaphore(%run_scoped3A : memref<!tpu.dma_semaphore, #tpu.memory_space<semaphore_mem>>)
        %dma_wait3A = arith.constant 0 : i32
        %dma_wait3A_81 = tpu.memref_slice %arg5[%arg0, %add3A_74, %dma_wait3A] : memref<2x10240x64xf32, #tpu.memory_space<hbm>> -> memref<1x128x64xf32, #tpu.memory_space<hbm>>
        %dma_wait3A_82 = tpu.memref_squeeze %dma_wait3A_81 : memref<1x128x64xf32, #tpu.memory_space<hbm>> -> memref<128x64xf32, #tpu.memory_space<hbm>>
        %dma_wait3A_83 = arith.constant 0 : i32
        %dma_wait3A_84 = tpu.memref_slice %arg5[%arg0, %add3A_74, %dma_wait3A_83] : memref<2x10240x64xf32, #tpu.memory_space<hbm>> -> memref<1x128x64xf32, #tpu.memory_space<hbm>>
        %dma_wait3A_85 = tpu.memref_squeeze %dma_wait3A_84 : memref<1x128x64xf32, #tpu.memory_space<hbm>> -> memref<128x64xf32, #tpu.memory_space<hbm>>
        tpu.wait_dma2 semaphore(%run_scoped3A : memref<!tpu.dma_semaphore, #tpu.memory_space<semaphore_mem>>) src(%arg9 : memref<128x64xf32, #tpu.memory_space<vmem>>) dst(%dma_wait3A_85 : memref<128x64xf32, #tpu.memory_space<hbm>>)
        tpu.yield
      }) : () -> ()
    }
    %scan3A_68 = arith.constant 5 : i32
    return
  }
}

module attributes {stable_mosaic.version = 14 : i64} {
  func.func @_k0_body(%arg0: i32, %arg1: memref<2000x128xf32, #tpu.memory_space<vmem>>, %arg2: memref<128x64xf32, #tpu.memory_space<vmem>>, %arg3: memref<2000x64xf32, #tpu.memory_space<vmem>>) attributes {dimension_semantics = [#tpu.dimension_semantics<arbitrary>], iteration_bounds = array<i64: 5>, scalar_prefetch = 0 : i64, scratch_operands = 0 : i64, tpu.core_type = #tpu.core_type<tc>, window_params = [{transform_indices = @transform_0, window_bounds = array<i64: 2000, 128>}, {pipeline_mode = #tpu.pipeline_mode<synchronous>, transform_indices = @transform_1, window_bounds = array<i64: 128, 64>}, {transform_indices = @transform_2, window_bounds = array<i64: 2000, 64>}]} {
    %get3A = arith.constant 0 : index
    %get3A_0 = arith.constant 0 : index
    %get3A_1 = vector.load %arg1[%get3A, %get3A_0] : memref<2000x128xf32, #tpu.memory_space<vmem>>, vector<2000x128xf32>
    %get3A_2 = arith.constant 0 : index
    %get3A_3 = arith.constant 0 : index
    %get3A_4 = vector.load %arg2[%get3A_2, %get3A_3] : memref<128x64xf32, #tpu.memory_space<vmem>>, vector<128x64xf32>
    %dot_general3A = arith.constant dense<0.000000e+00> : vector<2000x64xf32>
    %dot_general3A_5 = tpu.matmul %get3A_1, %get3A_4, %dot_general3A {dimension_numbers = #tpu.dot_dimension_numbers<[1], [0], [0], [1], [0, 0, 1, 1], [], []>, transpose_lhs_hint = false} : vector<2000x128xf32>, vector<128x64xf32>, vector<2000x64xf32> -> vector<2000x64xf32>
    %swap3A = arith.constant 0 : index
    %swap3A_6 = arith.constant 0 : index
    %swap3A_7 = vector.load %arg3[%swap3A, %swap3A_6] : memref<2000x64xf32, #tpu.memory_space<vmem>>, vector<2000x64xf32>
    tpu.vector_store %arg3[%swap3A, %swap3A_6], %dot_general3A_5 {strides = array<i32>} : memref<2000x64xf32, #tpu.memory_space<vmem>>, vector<2000x64xf32>,
    return
  }
  func.func @transform_0(%arg0: i32) -> (i32, i32) {
    %c0_i32 = arith.constant 0 : i32
    %c0_i32_0 = arith.constant 0 : i32
    return %arg0, %c0_i32 : i32, i32
  }
  func.func @transform_1(%arg0: i32) -> (i32, i32) {
    %c0_i32 = arith.constant 0 : i32
    %c0_i32_0 = arith.constant 0 : i32
    %c0_i32_1 = arith.constant 0 : i32
    return %c0_i32, %c0_i32_0 : i32, i32
  }
  func.func @transform_2(%arg0: i32) -> (i32, i32) {
    %c0_i32 = arith.constant 0 : i32
    %c0_i32_0 = arith.constant 0 : i32
    return %arg0, %c0_i32 : i32, i32
  }
}

module attributes {stable_mosaic.version = 14 : i64} {
  func.func @_kmid_body(%arg0: i32, %arg1: memref<2000x64xf32, #tpu.memory_space<vmem>>, %arg2: memref<1x2000x64xf32, #tpu.memory_space<vmem>>, %arg3: memref<1x2000x64xf32, #tpu.memory_space<vmem>>, %arg4: memref<1x64xf32, #tpu.memory_space<vmem>>, %arg5: memref<64x64xf32, #tpu.memory_space<vmem>>, %arg6: memref<1x64xf32, #tpu.memory_space<vmem>>, %arg7: memref<64x64xf32, #tpu.memory_space<vmem>>, %arg8: memref<2000x64xf32, #tpu.memory_space<vmem>>) attributes {dimension_semantics = [#tpu.dimension_semantics<arbitrary>], iteration_bounds = array<i64: 5>, scalar_prefetch = 0 : i64, scratch_operands = 0 : i64, tpu.core_type = #tpu.core_type<tc>, window_params = [{transform_indices = @transform_0, window_bounds = array<i64: 2000, 64>}, {transform_indices = @transform_1, window_bounds = array<i64: 1, 2000, 64>}, {transform_indices = @transform_2, window_bounds = array<i64: 1, 2000, 64>}, {pipeline_mode = #tpu.pipeline_mode<synchronous>, transform_indices = @transform_3, window_bounds = array<i64: 1, 64>}, {pipeline_mode = #tpu.pipeline_mode<synchronous>, transform_indices = @transform_4, window_bounds = array<i64: 64, 64>}, {pipeline_mode = #tpu.pipeline_mode<synchronous>, transform_indices = @transform_5, window_bounds = array<i64: 1, 64>}, {pipeline_mode = #tpu.pipeline_mode<synchronous>, transform_indices = @transform_6, window_bounds = array<i64: 64, 64>}, {transform_indices = @transform_7, window_bounds = array<i64: 2000, 64>}]} {
    %get3A = arith.constant 0 : index
    %get3A_0 = arith.constant 0 : index
    %get3A_1 = vector.load %arg1[%get3A, %get3A_0] : memref<2000x64xf32, #tpu.memory_space<vmem>>, vector<2000x64xf32>
    %get3A_2 = arith.constant 0 : index
    %get3A_3 = arith.constant 0 : index
    %get3A_4 = arith.constant 0 : index
    %get3A_5 = vector.load %arg2[%get3A_2, %get3A_3, %get3A_4] : memref<1x2000x64xf32, #tpu.memory_space<vmem>>, vector<1x2000x64xf32>
    %get3A_6 = vector.shape_cast %get3A_5 : vector<1x2000x64xf32> to vector<2000x64xf32>
    %add3A = arith.addf %get3A_1, %get3A_6 : vector<2000x64xf32>
    %get3A_7 = arith.constant 0 : index
    %get3A_8 = arith.constant 0 : index
    %get3A_9 = arith.constant 0 : index
    %get3A_10 = vector.load %arg3[%get3A_7, %get3A_8, %get3A_9] : memref<1x2000x64xf32, #tpu.memory_space<vmem>>, vector<1x2000x64xf32>
    %get3A_11 = vector.shape_cast %get3A_10 : vector<1x2000x64xf32> to vector<2000x64xf32>
    %add3A_12 = arith.addf %add3A, %get3A_11 : vector<2000x64xf32>
    %get3A_13 = arith.constant 0 : index
    %get3A_14 = arith.constant 0 : index
    %get3A_15 = vector.load %arg4[%get3A_13, %get3A_14] : memref<1x64xf32, #tpu.memory_space<vmem>>, vector<1x64xf32>
    %add3A_16 = vector.broadcast %get3A_15 : vector<1x64xf32> to vector<2000x64xf32>
    %add3A_17 = arith.addf %add3A_12, %add3A_16 : vector<2000x64xf32>
    %max3A = arith.constant 0.000000e+00 : f32
    %max3A_18 = vector.broadcast %max3A : f32 to vector<2000x64xf32>
    %max3A_19 = arith.maximumf %add3A_17, %max3A_18 : vector<2000x64xf32>
    %get3A_20 = arith.constant 0 : index
    %get3A_21 = arith.constant 0 : index
    %get3A_22 = vector.load %arg5[%get3A_20, %get3A_21] : memref<64x64xf32, #tpu.memory_space<vmem>>, vector<64x64xf32>
    %dot_general3A = arith.constant dense<0.000000e+00> : vector<2000x64xf32>
    %dot_general3A_23 = tpu.matmul %max3A_19, %get3A_22, %dot_general3A {dimension_numbers = #tpu.dot_dimension_numbers<[1], [0], [0], [1], [0, 0, 1, 1], [], []>, transpose_lhs_hint = false} : vector<2000x64xf32>, vector<64x64xf32>, vector<2000x64xf32> -> vector<2000x64xf32>
    %get3A_24 = arith.constant 0 : index
    %get3A_25 = arith.constant 0 : index
    %get3A_26 = vector.load %arg6[%get3A_24, %get3A_25] : memref<1x64xf32, #tpu.memory_space<vmem>>, vector<1x64xf32>
    %add3A_27 = vector.broadcast %get3A_26 : vector<1x64xf32> to vector<2000x64xf32>
    %add3A_28 = arith.addf %dot_general3A_23, %add3A_27 : vector<2000x64xf32>
    %max3A_29 = arith.constant 0.000000e+00 : f32
    %max3A_30 = vector.broadcast %max3A_29 : f32 to vector<2000x64xf32>
    %max3A_31 = arith.maximumf %add3A_28, %max3A_30 : vector<2000x64xf32>
    %get3A_32 = arith.constant 0 : index
    %get3A_33 = arith.constant 0 : index
    %get3A_34 = vector.load %arg7[%get3A_32, %get3A_33] : memref<64x64xf32, #tpu.memory_space<vmem>>, vector<64x64xf32>
    %dot_general3A_35 = arith.constant dense<0.000000e+00> : vector<2000x64xf32>
    %dot_general3A_36 = tpu.matmul %max3A_31, %get3A_34, %dot_general3A_35 {dimension_numbers = #tpu.dot_dimension_numbers<[1], [0], [0], [1], [0, 0, 1, 1], [], []>, transpose_lhs_hint = false} : vector<2000x64xf32>, vector<64x64xf32>, vector<2000x64xf32> -> vector<2000x64xf32>
    %swap3A = arith.constant 0 : index
    %swap3A_37 = arith.constant 0 : index
    %swap3A_38 = vector.load %arg8[%swap3A, %swap3A_37] : memref<2000x64xf32, #tpu.memory_space<vmem>>, vector<2000x64xf32>
    tpu.vector_store %arg8[%swap3A, %swap3A_37], %dot_general3A_36 {strides = array<i32>} : memref<2000x64xf32, #tpu.memory_space<vmem>>, vector<2000x64xf32>,
    return
  }
  func.func @transform_0(%arg0: i32) -> (i32, i32) {
    %c0_i32 = arith.constant 0 : i32
    %c0_i32_0 = arith.constant 0 : i32
    return %arg0, %c0_i32 : i32, i32
  }
  func.func @transform_1(%arg0: i32) -> (i32, i32, i32) {
    %c0_i32 = arith.constant 0 : i32
    %c0_i32_0 = arith.constant 0 : i32
    %c0_i32_1 = arith.constant 0 : i32
    return %c0_i32, %arg0, %c0_i32_0 : i32, i32, i32
  }
  func.func @transform_2(%arg0: i32) -> (i32, i32, i32) {
    %c1_i32 = arith.constant 1 : i32
    %c0_i32 = arith.constant 0 : i32
    %c0_i32_0 = arith.constant 0 : i32
    return %c1_i32, %arg0, %c0_i32 : i32, i32, i32
  }
  func.func @transform_3(%arg0: i32) -> (i32, i32) {
    %c0_i32 = arith.constant 0 : i32
    %c0_i32_0 = arith.constant 0 : i32
    %c0_i32_1 = arith.constant 0 : i32
    return %c0_i32, %c0_i32_0 : i32, i32
  }
  func.func @transform_4(%arg0: i32) -> (i32, i32) {
    %c0_i32 = arith.constant 0 : i32
    %c0_i32_0 = arith.constant 0 : i32
    %c0_i32_1 = arith.constant 0 : i32
    return %c0_i32, %c0_i32_0 : i32, i32
  }
  func.func @transform_5(%arg0: i32) -> (i32, i32) {
    %c0_i32 = arith.constant 0 : i32
    %c0_i32_0 = arith.constant 0 : i32
    %c0_i32_1 = arith.constant 0 : i32
    return %c0_i32, %c0_i32_0 : i32, i32
  }
  func.func @transform_6(%arg0: i32) -> (i32, i32) {
    %c0_i32 = arith.constant 0 : i32
    %c0_i32_0 = arith.constant 0 : i32
    %c0_i32_1 = arith.constant 0 : i32
    return %c0_i32, %c0_i32_0 : i32, i32
  }
  func.func @transform_7(%arg0: i32) -> (i32, i32) {
    %c0_i32 = arith.constant 0 : i32
    %c0_i32_0 = arith.constant 0 : i32
    return %arg0, %c0_i32 : i32, i32
  }
}

module attributes {stable_mosaic.version = 14 : i64} {
  func.func @_kfin_body(%arg0: i32, %arg1: memref<2000x64xf32, #tpu.memory_space<vmem>>, %arg2: memref<1x2000x64xf32, #tpu.memory_space<vmem>>, %arg3: memref<1x2000x64xf32, #tpu.memory_space<vmem>>, %arg4: memref<1x64xf32, #tpu.memory_space<vmem>>, %arg5: memref<64x64xf32, #tpu.memory_space<vmem>>, %arg6: memref<1x64xf32, #tpu.memory_space<vmem>>, %arg7: memref<1x1x2000xi32, #tpu.memory_space<vmem>>, %arg8: memref<64x2xf32, #tpu.memory_space<vmem>>, %arg9: memref<1x2xf32, #tpu.memory_space<vmem>>, %arg10: memref<64x2xf32, #tpu.memory_space<vmem>>, %arg11: memref<64x64xf32, #tpu.memory_space<vmem>>, %arg12: memref<64x64xf32, #tpu.memory_space<vmem>>, %arg13: memref<64x1xf32, #tpu.memory_space<vmem>>) attributes {dimension_semantics = [#tpu.dimension_semantics<arbitrary>], iteration_bounds = array<i64: 5>, scalar_prefetch = 0 : i64, scratch_operands = 2 : i64, tpu.core_type = #tpu.core_type<tc>, window_params = [{transform_indices = @transform_0, window_bounds = array<i64: 2000, 64>}, {transform_indices = @transform_1, window_bounds = array<i64: 1, 2000, 64>}, {transform_indices = @transform_2, window_bounds = array<i64: 1, 2000, 64>}, {pipeline_mode = #tpu.pipeline_mode<synchronous>, transform_indices = @transform_3, window_bounds = array<i64: 1, 64>}, {pipeline_mode = #tpu.pipeline_mode<synchronous>, transform_indices = @transform_4, window_bounds = array<i64: 64, 64>}, {pipeline_mode = #tpu.pipeline_mode<synchronous>, transform_indices = @transform_5, window_bounds = array<i64: 1, 64>}, {transform_indices = @transform_6, window_bounds = array<i64: 1, 1, 2000>}, {pipeline_mode = #tpu.pipeline_mode<synchronous>, transform_indices = @transform_7, window_bounds = array<i64: 64, 2>}, {pipeline_mode = #tpu.pipeline_mode<synchronous>, transform_indices = @transform_8, window_bounds = array<i64: 1, 2>}, {pipeline_mode = #tpu.pipeline_mode<synchronous>, transform_indices = @transform_9, window_bounds = array<i64: 64, 2>}, {pipeline_mode = #tpu.pipeline_mode<synchronous>, transform_indices = @transform_10, window_bounds = array<i64: 64, 64>}]} {
    %get3A = arith.constant 0 : index
    %get3A_0 = arith.constant 0 : index
    %get3A_1 = vector.load %arg1[%get3A, %get3A_0] : memref<2000x64xf32, #tpu.memory_space<vmem>>, vector<2000x64xf32>
    %get3A_2 = arith.constant 0 : index
    %get3A_3 = arith.constant 0 : index
    %get3A_4 = arith.constant 0 : index
    %get3A_5 = vector.load %arg2[%get3A_2, %get3A_3, %get3A_4] : memref<1x2000x64xf32, #tpu.memory_space<vmem>>, vector<1x2000x64xf32>
    %get3A_6 = vector.shape_cast %get3A_5 : vector<1x2000x64xf32> to vector<2000x64xf32>
    %add3A = arith.addf %get3A_1, %get3A_6 : vector<2000x64xf32>
    %get3A_7 = arith.constant 0 : index
    %get3A_8 = arith.constant 0 : index
    %get3A_9 = arith.constant 0 : index
    %get3A_10 = vector.load %arg3[%get3A_7, %get3A_8, %get3A_9] : memref<1x2000x64xf32, #tpu.memory_space<vmem>>, vector<1x2000x64xf32>
    %get3A_11 = vector.shape_cast %get3A_10 : vector<1x2000x64xf32> to vector<2000x64xf32>
    %add3A_12 = arith.addf %add3A, %get3A_11 : vector<2000x64xf32>
    %get3A_13 = arith.constant 0 : index
    %get3A_14 = arith.constant 0 : index
    %get3A_15 = vector.load %arg4[%get3A_13, %get3A_14] : memref<1x64xf32, #tpu.memory_space<vmem>>, vector<1x64xf32>
    %add3A_16 = vector.broadcast %get3A_15 : vector<1x64xf32> to vector<2000x64xf32>
    %add3A_17 = arith.addf %add3A_12, %add3A_16 : vector<2000x64xf32>
    %max3A = arith.constant 0.000000e+00 : f32
    %max3A_18 = vector.broadcast %max3A : f32 to vector<2000x64xf32>
    %max3A_19 = arith.maximumf %add3A_17, %max3A_18 : vector<2000x64xf32>
    %get3A_20 = arith.constant 0 : index
    %get3A_21 = arith.constant 0 : index
    %get3A_22 = vector.load %arg5[%get3A_20, %get3A_21] : memref<64x64xf32, #tpu.memory_space<vmem>>, vector<64x64xf32>
    %dot_general3A = arith.constant dense<0.000000e+00> : vector<2000x64xf32>
    %dot_general3A_23 = tpu.matmul %max3A_19, %get3A_22, %dot_general3A {dimension_numbers = #tpu.dot_dimension_numbers<[1], [0], [0], [1], [0, 0, 1, 1], [], []>, transpose_lhs_hint = false} : vector<2000x64xf32>, vector<64x64xf32>, vector<2000x64xf32> -> vector<2000x64xf32>
    %get3A_24 = arith.constant 0 : index
    %get3A_25 = arith.constant 0 : index
    %get3A_26 = vector.load %arg6[%get3A_24, %get3A_25] : memref<1x64xf32, #tpu.memory_space<vmem>>, vector<1x64xf32>
    %add3A_27 = vector.broadcast %get3A_26 : vector<1x64xf32> to vector<2000x64xf32>
    %add3A_28 = arith.addf %dot_general3A_23, %add3A_27 : vector<2000x64xf32>
    %max3A_29 = arith.constant 0.000000e+00 : f32
    %max3A_30 = vector.broadcast %max3A_29 : f32 to vector<2000x64xf32>
    %max3A_31 = arith.maximumf %add3A_28, %max3A_30 : vector<2000x64xf32>
    %get3A_32 = arith.constant 0 : index
    %get3A_33 = arith.constant 0 : index
    %get3A_34 = arith.constant 0 : index
    %get3A_35 = vector.load %arg7[%get3A_32, %get3A_33, %get3A_34] : memref<1x1x2000xi32, #tpu.memory_space<vmem>>, vector<1x1x2000xi32>
    %get3A_36 = vector.shape_cast %get3A_35 : vector<1x1x2000xi32> to vector<2000xi32>
    %broadcast_in_dim3A = vector.shape_cast %get3A_36 : vector<2000xi32> to vector<2000x1xi32>
    %iota3A = tpu.iota {dimensions = array<i32: 1>} : vector<1x64xi32>
    %eq3A = vector.broadcast %broadcast_in_dim3A : vector<2000x1xi32> to vector<2000x64xi32>
    %eq3A_37 = vector.broadcast %iota3A : vector<1x64xi32> to vector<2000x64xi32>
    %eq3A_38 = arith.cmpi eq, %eq3A, %eq3A_37 : vector<2000x64xi32>
    %convert_element_type3A = arith.extui %eq3A_38 : vector<2000x64xi1> to vector<2000x64xi32>
    %convert_element_type3A_39 = arith.sitofp %convert_element_type3A : vector<2000x64xi32> to vector<2000x64xf32>
    %dot_general3A_40 = arith.constant dense<0.000000e+00> : vector<64x64xf32>
    %dot_general3A_41 = tpu.matmul %convert_element_type3A_39, %max3A_31, %dot_general3A_40 {dimension_numbers = #tpu.dot_dimension_numbers<[0], [0], [1], [1], [0, 1, 1, 1], [], []>, transpose_lhs_hint = false} : vector<2000x64xf32>, vector<2000x64xf32>, vector<64x64xf32> -> vector<64x64xf32>
    %broadcast_in_dim3A_42 = arith.constant 1.000000e+00 : f32
    %broadcast_in_dim3A_43 = vector.broadcast %broadcast_in_dim3A_42 : f32 to vector<2000x1xf32>
    %dot_general3A_44 = arith.constant dense<0.000000e+00> : vector<64x1xf32>
    %dot_general3A_45 = tpu.matmul %convert_element_type3A_39, %broadcast_in_dim3A_43, %dot_general3A_44 {dimension_numbers = #tpu.dot_dimension_numbers<[0], [0], [1], [1], [0, 1, 1, 1], [], []>, transpose_lhs_hint = false} : vector<2000x64xf32>, vector<2000x1xf32>, vector<64x1xf32> -> vector<64x1xf32>
    %eq3A_46 = arith.constant 0 : i32
    %eq3A_47 = arith.cmpi eq, %arg0, %eq3A_46 : i32
    %convert_element_type3A_48 = arith.extui %eq3A_47 : i1 to i32
    %cond3A = arith.constant 0 : i32
    %cond3A_49 = arith.cmpi ne, %convert_element_type3A_48, %cond3A : i32
    scf.if %cond3A_49 {
      %swap3A = arith.constant 0 : index
      %swap3A_59 = arith.constant 0 : index
      %swap3A_60 = vector.load %arg12[%swap3A, %swap3A_59] : memref<64x64xf32, #tpu.memory_space<vmem>>, vector<64x64xf32>
      tpu.vector_store %arg12[%swap3A, %swap3A_59], %dot_general3A_41 {strides = array<i32>} : memref<64x64xf32, #tpu.memory_space<vmem>>, vector<64x64xf32>,
      %swap3A_61 = arith.constant 0 : index
      %swap3A_62 = arith.constant 0 : index
      %swap3A_63 = vector.load %arg13[%swap3A_61, %swap3A_62] : memref<64x1xf32, #tpu.memory_space<vmem>>, vector<64x1xf32>
      tpu.vector_store %arg13[%swap3A_61, %swap3A_62], %dot_general3A_45 {strides = array<i32>} : memref<64x1xf32, #tpu.memory_space<vmem>>, vector<64x1xf32>,
    } else {
    }
    %gt3A = arith.constant 0 : i32
    %gt3A_50 = arith.cmpi sgt, %arg0, %gt3A : i32
    %convert_element_type3A_51 = arith.extui %gt3A_50 : i1 to i32
    %cond3A_52 = arith.constant 0 : i32
    %cond3A_53 = arith.cmpi ne, %convert_element_type3A_51, %cond3A_52 : i32
    scf.if %cond3A_53 {
      %get3A_59 = arith.constant 0 : index
      %get3A_60 = arith.constant 0 : index
      %get3A_61 = vector.load %arg12[%get3A_59, %get3A_60] : memref<64x64xf32, #tpu.memory_space<vmem>>, vector<64x64xf32>
      %add3A_62 = arith.addf %get3A_61, %dot_general3A_41 : vector<64x64xf32>
      %swap3A = arith.constant 0 : index
      %swap3A_63 = arith.constant 0 : index
      %swap3A_64 = vector.load %arg12[%swap3A, %swap3A_63] : memref<64x64xf32, #tpu.memory_space<vmem>>, vector<64x64xf32>
      tpu.vector_store %arg12[%swap3A, %swap3A_63], %add3A_62 {strides = array<i32>} : memref<64x64xf32, #tpu.memory_space<vmem>>, vector<64x64xf32>,
      %get3A_65 = arith.constant 0 : index
      %get3A_66 = arith.constant 0 : index
      %get3A_67 = vector.load %arg13[%get3A_65, %get3A_66] : memref<64x1xf32, #tpu.memory_space<vmem>>, vector<64x1xf32>
      %add3A_68 = arith.addf %get3A_67, %dot_general3A_45 : vector<64x1xf32>
      %swap3A_69 = arith.constant 0 : index
      %swap3A_70 = arith.constant 0 : index
      %swap3A_71 = vector.load %arg13[%swap3A_69, %swap3A_70] : memref<64x1xf32, #tpu.memory_space<vmem>>, vector<64x1xf32>
      tpu.vector_store %arg13[%swap3A_69, %swap3A_70], %add3A_68 {strides = array<i32>} : memref<64x1xf32, #tpu.memory_space<vmem>>, vector<64x1xf32>,
    } else {
    }
    %eq3A_54 = arith.constant 4 : i32
    %eq3A_55 = arith.cmpi eq, %arg0, %eq3A_54 : i32
    %convert_element_type3A_56 = arith.extui %eq3A_55 : i1 to i32
    %cond3A_57 = arith.constant 0 : i32
    %cond3A_58 = arith.cmpi ne, %convert_element_type3A_56, %cond3A_57 : i32
    scf.if %cond3A_58 {
      %get3A_59 = arith.constant 0 : index
      %get3A_60 = arith.constant 0 : index
      %get3A_61 = vector.load %arg12[%get3A_59, %get3A_60] : memref<64x64xf32, #tpu.memory_space<vmem>>, vector<64x64xf32>
      %get3A_62 = arith.constant 0 : index
      %get3A_63 = arith.constant 0 : index
      %get3A_64 = vector.load %arg13[%get3A_62, %get3A_63] : memref<64x1xf32, #tpu.memory_space<vmem>>, vector<64x1xf32>
      %max3A_65 = arith.constant 1.000000e+00 : f32
      %max3A_66 = vector.broadcast %max3A_65 : f32 to vector<64x1xf32>
      %max3A_67 = arith.maximumf %get3A_64, %max3A_66 : vector<64x1xf32>
      %div3A = vector.broadcast %max3A_67 : vector<64x1xf32> to vector<64x64xf32>
      %div3A_68 = arith.divf %get3A_61, %div3A : vector<64x64xf32>
      %swap3A = arith.constant 0 : index
      %swap3A_69 = arith.constant 0 : index
      %swap3A_70 = vector.load %arg11[%swap3A, %swap3A_69] : memref<64x64xf32, #tpu.memory_space<vmem>>, vector<64x64xf32>
      tpu.vector_store %arg11[%swap3A, %swap3A_69], %div3A_68 {strides = array<i32>} : memref<64x64xf32, #tpu.memory_space<vmem>>, vector<64x64xf32>,
      %get3A_71 = arith.constant 0 : index
      %get3A_72 = arith.constant 0 : index
      %get3A_73 = vector.load %arg8[%get3A_71, %get3A_72] : memref<64x2xf32, #tpu.memory_space<vmem>>, vector<64x2xf32>
      %dot_general3A_74 = arith.constant dense<0.000000e+00> : vector<64x2xf32>
      %dot_general3A_75 = tpu.matmul %div3A_68, %get3A_73, %dot_general3A_74 {dimension_numbers = #tpu.dot_dimension_numbers<[1], [0], [0], [1], [0, 0, 1, 1], [], []>, transpose_lhs_hint = false} : vector<64x64xf32>, vector<64x2xf32>, vector<64x2xf32> -> vector<64x2xf32>
      %get3A_76 = arith.constant 0 : index
      %get3A_77 = arith.constant 0 : index
      %get3A_78 = vector.load %arg9[%get3A_76, %get3A_77] : memref<1x2xf32, #tpu.memory_space<vmem>>, vector<1x2xf32>
      %add3A_79 = vector.broadcast %get3A_78 : vector<1x2xf32> to vector<64x2xf32>
      %add3A_80 = arith.addf %dot_general3A_75, %add3A_79 : vector<64x2xf32>
      %swap3A_81 = arith.constant 0 : index
      %swap3A_82 = arith.constant 0 : index
      %swap3A_83 = vector.load %arg10[%swap3A_81, %swap3A_82] : memref<64x2xf32, #tpu.memory_space<vmem>>, vector<64x2xf32>
      tpu.vector_store %arg10[%swap3A_81, %swap3A_82], %add3A_80 {strides = array<i32>} : memref<64x2xf32, #tpu.memory_space<vmem>>, vector<64x2xf32>,
    } else {
    }
    return
  }
  func.func @transform_0(%arg0: i32) -> (i32, i32) {
    %c0_i32 = arith.constant 0 : i32
    %c0_i32_0 = arith.constant 0 : i32
    return %arg0, %c0_i32 : i32, i32
  }
  func.func @transform_1(%arg0: i32) -> (i32, i32, i32) {
    %c0_i32 = arith.constant 0 : i32
    %c0_i32_0 = arith.constant 0 : i32
    %c0_i32_1 = arith.constant 0 : i32
    return %c0_i32, %arg0, %c0_i32_0 : i32, i32, i32
  }
  func.func @transform_2(%arg0: i32) -> (i32, i32, i32) {
    %c1_i32 = arith.constant 1 : i32
    %c0_i32 = arith.constant 0 : i32
    %c0_i32_0 = arith.constant 0 : i32
    return %c1_i32, %arg0, %c0_i32 : i32, i32, i32
  }
  func.func @transform_3(%arg0: i32) -> (i32, i32) {
    %c0_i32 = arith.constant 0 : i32
    %c0_i32_0 = arith.constant 0 : i32
    %c0_i32_1 = arith.constant 0 : i32
    return %c0_i32, %c0_i32_0 : i32, i32
  }
  func.func @transform_4(%arg0: i32) -> (i32, i32) {
    %c0_i32 = arith.constant 0 : i32
    %c0_i32_0 = arith.constant 0 : i32
    %c0_i32_1 = arith.constant 0 : i32
    return %c0_i32, %c0_i32_0 : i32, i32
  }
  func.func @transform_5(%arg0: i32) -> (i32, i32) {
    %c0_i32 = arith.constant 0 : i32
    %c0_i32_0 = arith.constant 0 : i32
    %c0_i32_1 = arith.constant 0 : i32
    return %c0_i32, %c0_i32_0 : i32, i32
  }
  func.func @transform_6(%arg0: i32) -> (i32, i32, i32) {
    %c0_i32 = arith.constant 0 : i32
    %c0_i32_0 = arith.constant 0 : i32
    %c0_i32_1 = arith.constant 0 : i32
    return %arg0, %c0_i32, %c0_i32_0 : i32, i32, i32
  }
  func.func @transform_7(%arg0: i32) -> (i32, i32) {
    %c0_i32 = arith.constant 0 : i32
    %c0_i32_0 = arith.constant 0 : i32
    %c0_i32_1 = arith.constant 0 : i32
    return %c0_i32, %c0_i32_0 : i32, i32
  }
  func.func @transform_8(%arg0: i32) -> (i32, i32) {
    %c0_i32 = arith.constant 0 : i32
    %c0_i32_0 = arith.constant 0 : i32
    %c0_i32_1 = arith.constant 0 : i32
    return %c0_i32, %c0_i32_0 : i32, i32
  }
  func.func @transform_9(%arg0: i32) -> (i32, i32) {
    %c0_i32 = arith.constant 0 : i32
    %c0_i32_0 = arith.constant 0 : i32
    %c0_i32_1 = arith.constant 0 : i32
    return %c0_i32, %c0_i32_0 : i32, i32
  }
  func.func @transform_10(%arg0: i32) -> (i32, i32) {
    %c0_i32 = arith.constant 0 : i32
    %c0_i32_0 = arith.constant 0 : i32
    %c0_i32_1 = arith.constant 0 : i32
    return %c0_i32, %c0_i32_0 : i32, i32
  }
}

</mosaic_0001>

<sc_bundles>
// kernel: kernel.12.cloned.1.call-start
scs
__scs_entry_jumppad:
0x0: {  	(pc) =	sbr.rel $0x88, $3  }
0x1: {  	(tag) =	ssettag $0x0;
	lr =	simm.s32 $0x1  }
0x2: {  	[smem:$0x3F90] =	sst lr;
	_ =	strace $0xD0000000  }
0x3: {  	_ = 	snop  }
0x4: {  	_ = 	snop  }
0x5: {  	_ = 	snop  }
0x6: {  	_ = 	snop  }
0x7: {  	_ = 	snop  }
__scs_overlays_trampoline_lowered:
0x8: {  	[smem:$0x3F9F] =	sst s0  }
0x9: {  	[smem:$0x3FA0] =	sst s1  }
0xa: {  	[smem:$0x3FA1] =	sst s2  }
0xb: {  	[smem:$0x3FA2] =	sst s3  }
0xc: {  	[smem:$0x3FA3] =	sst s4  }
0xd: {  	[smem:$0x3FA4] =	sst s5  }
0xe: {  	[smem:$0x3FA5] =	sst s6  }
0xf: {  	[smem:$0x3FA6] =	sst s7  }
0x10: {  	[smem:$0x3FA7] =	sst s8  }
0x11: {  	[smem:$0x3FA8] =	sst s9;
	s0 =	simm.s32 @!p0 $0x0  }
0x12: {  	s1 =	sld [smem:$0x3F8E];
	s0 =	simm.s32 @p0 $0x1  }
0x13: {  	[smem:$0x3FA9] =	sst s0;
	s0 =	simm.s32 @!p1 $0x0  }
0x14: {  	s2 =	sld [smem:$0x3F8D];
	s0 =	simm.s32 @p1 $0x1  }
0x15: {  	[smem:$0x3FAA] =	sst s0;
	s0 =	simm.s32 @!p2 $0x0  }
0x16: {  	s3 =	sld [smem:$0x3FDB];
	s0 =	simm.s32 @p2 $0x1  }
0x17: {  	s4 =	simm.s32 $0x1BF5;
	[smem:$0x3FAC] =	sst s0  }
0x18: {  	s0 =	sld [smem:$0x3F8F];
	_ =	swait.ge [sflag:s4], $0x0  }
0x19: {  	s7 =	sld [smem:$0x3F90]  }
0x1a: {  	s8 =	sadd.s32 $0xFFFFE003, lr  }
0x1b: {  	s9 =	sadd.s32 $0xFFFFFEF7, lr;
	s5 =	simm.s32 $0xFFFFFFFF;
	p2 =	slt.u32 s8, $0xFFFFF086  }
0x1c: {  	p1 =	slt.u32 s9, $0xF7A;
	s5 =	simm.s32 @!p2 $0x0  }
0x1d: {  	s5 =	simm.s32 @p1 $0x1;
	p0 =	seq.s32 s7, s2  }
0x1e: {  	s7 =	smul.u32 @!p0 $0xF7A, s2;
	p2 =	seq.s32 @!p0 s5, $0x0  }
0x1f: {  	s9 =	smul.u32 $0xF7A, s1;
	s8 =	simm.s32 @!p0 $0x1BF5;
	p2 =	por !p2, p0  }
0x20: {  	[sflag:s8] =	ssyncset.s32 @!p0 $0xFFFFF086;
	s6 =	sadd.s32 @!p0 s3, s7;
	s7 =	simm.s32 @!p0 $0x108  }
0x21: {  	s3 =	sadd.s32 s3, s9;
	s6 =	sadd.s32 @!p0 $0x88, s6;
	s7 =	simm.s32 @p2 $0x1082  }
0x22: {  	[simem:s7], [sflag:s8] =	dma.local @!p0 [hbm:s6], $0xF7A  }
0x23: {  	s9 =	sor.u32 $0xD0000000, s2;
	s6 =	simm.s32 $0x108;
	_ =	swait.ge @!p0 [sflag:s8], $0x0  }
0x24: {  	s3 =	sadd.s32 $0x88, s3;
	s6 =	simm.s32 @!p1 $0x1082;
	[sflag:s4] =	ssyncset.s32 $0xFFFFF086  }
0x25: {  	[simem:s6], [sflag:s4] =	dma.local [hbm:s3], $0xF7A  }
0x26: {  	[smem:$0x3F90] =	sst s1;
	(tag) =	ssettag s2;
	_ =	strace s9  }
0x27: {  	s1 =	sld [smem:$0x3FA0]  }
0x28: {  	s2 =	sld [smem:$0x3FA1]  }
0x29: {  	s4 =	sld [smem:$0x3FA3]  }
0x2a: {  	p0 =	seq.s32 s5, $0x0;
	s5 =	sld [smem:$0x3FA4]  }
0x2b: {  	s6 =	sld [smem:$0x3FA5]  }
0x2c: {  	s7 =	sld [smem:$0x3FA6]  }
0x2d: {  	s3 =	simm.s32 $0x108;
	s8 =	sld [smem:$0x3FA7]  }
0x2e: {  	s3 =	simm.s32 @!p0 $0x1082;
	s9 =	sld [smem:$0x3FA8]  }
0x2f: {  	lr =	sadd.s32 s0, s3;
	s0 =	sld [smem:$0x3F9F]  }
0x30: {  	s3 =	sld [smem:$0x3FA2]  }
0x31: {  	[smem:$0x3FAB] =	sst s10  }
0x32: {  	s10 =	sld [smem:$0x3FA9];
	_ =	sdelay $0x3  }
0x33: {  	p0 =	seq.s32 s10, $0x1;
	s10 =	sld [smem:$0x3FAB];
	_ =	sdelay $0x3  }
0x34: {  	[smem:$0x3FAB] =	sst s10  }
0x35: {  	s10 =	sld [smem:$0x3FAA];
	_ =	sdelay $0x3  }
0x36: {  	p1 =	seq.s32 s10, $0x1;
	s10 =	sld [smem:$0x3FAB];
	_ =	sdelay $0x3  }
0x37: {  	[smem:$0x3FAB] =	sst s10  }
0x38: {  	s10 =	sld [smem:$0x3FAC]  }
0x39: {  	_ = 	snop;
	(pc) =	sbr.ind lr, $3  }
0x3a: {  	_ = 	snop  }
0x3b: {  	_ = 	snop  }
0x3c: {  	p2 =	seq.s32 s10, $0x1;
	s10 =	sld [smem:$0x3FAB]  }
0x3d: {  	_ =	shalt  }
0x3e: {  	_ =	shalt  }
0x3f: {  	_ =	shalt  }
0x40: {  	_ =	shalt  }
0x41: {  	_ =	shalt  }
0x42: {  	_ =	shalt  }
0x43: {  	_ =	shalt  }
0x44: {  	_ =	shalt  }
0x45: {  	_ =	shalt  }
0x46: {  	_ =	shalt  }
0x47: {  	_ =	shalt  }
0x48: {  	_ =	shalt  }
0x49: {  	_ =	shalt  }
0x4a: {  	_ =	shalt  }
0x4b: {  	_ =	shalt  }
0x4c: {  	_ =	shalt  }
0x4d: {  	_ =	shalt  }
0x4e: {  	_ =	shalt  }
0x4f: {  	_ =	shalt  }
0x50: {  	_ =	shalt  }
0x51: {  	_ =	shalt  }
0x52: {  	_ =	shalt  }
0x53: {  	_ =	shalt  }
0x54: {  	_ =	shalt  }
0x55: {  	_ =	shalt  }
0x56: {  	_ =	shalt  }
0x57: {  	_ =	shalt  }
0x58: {  	_ =	shalt  }
0x59: {  	_ =	shalt  }
0x5a: {  	_ =	shalt  }
0x5b: {  	_ =	shalt  }
0x5c: {  	_ =	shalt  }
0x5d: {  	_ =	shalt  }
0x5e: {  	_ =	shalt  }
0x5f: {  	_ =	shalt  }
0x60: {  	_ =	shalt  }
0x61: {  	_ =	shalt  }
0x62: {  	_ =	shalt  }
0x63: {  	_ =	shalt  }
0x64: {  	_ =	shalt  }
0x65: {  	_ =	shalt  }
0x66: {  	_ =	shalt  }
0x67: {  	_ =	shalt  }
0x68: {  	_ =	shalt  }
0x69: {  	_ =	shalt  }
0x6a: {  	_ =	shalt  }
0x6b: {  	_ =	shalt  }
0x6c: {  	_ =	shalt  }
0x6d: {  	_ =	shalt  }
0x6e: {  	_ =	shalt  }
0x6f: {  	_ =	shalt  }
0x70: {  	_ =	shalt  }
0x71: {  	_ =	shalt  }
0x72: {  	_ =	shalt  }
0x73: {  	_ =	shalt  }
0x74: {  	_ =	shalt  }
0x75: {  	_ =	shalt  }
0x76: {  	_ =	shalt  }
0x77: {  	_ =	shalt  }
0x78: {  	_ =	shalt  }
0x79: {  	_ =	shalt  }
0x7a: {  	_ =	shalt  }
0x7b: {  	_ =	shalt  }
0x7c: {  	_ =	shalt  }
0x7d: {  	_ =	shalt  }
0x7e: {  	_ =	shalt  }
0x7f: {  	_ =	shalt  }
0x80: {  	_ =	shalt  }
0x81: {  	_ =	shalt  }
0x82: {  	_ =	shalt  }
0x83: {  	_ =	shalt  }
0x84: {  	_ =	shalt  }
0x85: {  	_ =	shalt  }
0x86: {  	_ =	shalt  }
0x87: {  	_ =	shalt  }
.Lfunc_end0:
.L_simem_size_0:
called_computation.1_lowered:
.L_overlay_start_0:
0x88: {  	s2 =	sld [smem:$0x3FD9]  }
0x89: {  	s3 =	sld [smem:$0x3FFE];
	_ =	sdelay $0x1  }
0x8a: {  	s1 =	srdreg.scid  }
0x8b: {  	s0 =	sand.u32 $0x1, s1  }
0x8c: {  	s16 =	sshll.u32 s0, $0xA;
	s2 =	sadd.s32 s3, s2  }
0x8d: {  	s2 =	sadd.s32 s2, s16  }
0x8e: {  	[smem:$0x3FB7] =	sst s2  }
0x8f: {  	_ = 	snop  }
0x90: {  	(tm) =	ssettm $0x1  }
0x91: {  	s17 =	sld [smem:$0x3FFB];
	_ =	sdelay $0x3  }
0x92: {  	_ =	strace s17  }
0x93: {  	s2 =	sld [smem:$0x3FFC];
	_ =	sdelay $0x3  }
0x94: {  	_ =	strace s2  }
0x95: {  	s2 =	sld [smem:$0x3FFD];
	_ =	sdelay $0x3  }
0x96: {  	_ =	strace s2  }
0x97: {  	_ =	strace $0x8FFFFFFF  }
0x98: {  	s18 =	sld [smem:$0x3FDB];
	_ =	sdelay $0x1  }
0x99: {  	s19 =	simm.s32 $_scs_section_size  }
0x9a: {  	s4 =	simm.s32 $_size__tile_overlayer_lowered;
	s5 =	simm.s32 $_tile_overlayer_lowered  }
0x9b: {  	s22 =	simm.s32 $0x1BFF;
	s21 =	sshll.u32 s5, $0x1;
	s2 =	sadd.s32 s19, s18  }
0x9c: {  	s6 =	simm.s32 $0x0;
	s20 =	sshll.u32 s4, $0x1;
	s4 =	sadd.s32 s21, s2  }
0x9d: {  	[timem:s6], [sflag:s22] =	dma.local [hbm:s4], s20  }
0x9e: {  	_ =	swait.ge [sflag:s22], s20  }
0x9f: {  	s3 =	ssub.s32 $0x0, s20;
	[sflag:s22] =	ssyncset.done $0x0  }
0xa0: {  	[sflag:s22] =	ssyncadd.s32 s3;
	_ =	sdelay $0x1  }
0xa1: {  	s23 =	simm.s32 $0x1B8B  }
0xa2: {  	_ =	swait.ge [sflag:s23], $0x1  }
0xa3: {  	[sflag:s23] =	ssyncset.done $0x0  }
0xa4: {  	s25 =	simm.s32 $0x1B8E;
	s24 =	sld [smem:$0x3FFE];
	[sflag:s23] =	ssyncadd.s32 $0xFFFFFFFF  }
0xa5: {  	s26 =	simm.s32 $execute0_lowered;
	[smem:$0x3FD2] =	sst s25  }
0xa6: {  	s4 =	sshll.u32 s26, $0x1;
	_ =	strace $0x80000049;
	[dreg:$0x1] =	wrdreg $0xFFFFFFFF  }
0xa7: {  	s28 =	simm.s32 $_size_execute0_lowered;
	s2 =	sadd.s32 s2, s4;
	[dreg:$0x0] =	wrdreg $0x0  }
0xa8: {  	s4 =	sshll.u32 s28, $0x1;
	[dreg:$0x2] =	wrdreg s2  }
0xa9: {  	[dreg:$0x3] =	wrdreg s4  }
0xaa: {  	[dreg:$0x4] =	wrdreg $0xC0  }
0xab: {  	_ =	task [dreg:s6], $0x5FFFF  }
0xac: {  	[dreg:$0x1] =	wrdreg $0xFFFFFFFF  }
0xad: {  	[dreg:$0x0] =	wrdreg $0x60  }
0xae: {  	[dreg:$0x2] =	wrdreg s24  }
0xaf: {  	[dreg:$0x3] =	wrdreg $0xEF000  }
0xb0: {  	[dreg:$0x4] =	wrdreg $0x9  }
0xb1: {  	_ =	task.clear_ibuf [dreg:s6], $0x5FFFF;
	_ =	strace $0x90000049  }
0xb2: {  	s29 =	simm.s32 $0x9;
	_ =	strace $0x8000004B  }
0xb3: {  	_ =	swait.ge [sflag:s29], $0x1  }
0xb4: {  	[sflag:s29] =	ssyncadd.s32 $0xFFFFFFFF  }
0xb5: {  	_ =	strace $0x9000004B  }
0xb6: {  	_ =	sfence  }
0xb7: {  	s30 =	sld [smem:$0x0];
	_ =	sdelay $0x2  }
0xb8: {  	s31 =	sshll.u32 s1, $0xD;
	s1 =	sshrl.u32 s1, $0x2  }
0xb9: {  	s3 =	sand.u32 $0x4000, s31;
	s1 =	sadd.s32 s1, s30  }
0xba: {  	s0 =	sor.u32 s3, s0;
	s1 =	sshll.u32 s1, $0x11  }
0xbb: {  	s0 =	sor.u32 s1, s0  }
0xbc: {  	s0 =	sadd.s32 $0x8F2B, s0  }
0xbd: {  	[sflag:s0] =	ssyncadd.remote.s32 $0x1  }
0xbe: {  	_ =	sfence.sel $0xFFFF  }
0xbf: {  	[dreg:$0x0] =	wrdreg $0xFFFFFFFF;
	(pc) =	sbr.abs _section_cstart, $3  }
0xc0: {  	[dreg:$0x1] =	wrdreg $0xFFFFFFFF  }
0xc1: {  	_ =	task.clear_ibuf [dreg:s6], $0x2FFFF;
	_ =	strace $0x9FFFFFFF  }
0xc2: {  	(tm) =	ssettm $0x7FFFFFFF  }
0xc3: {  	_ =	shalt  }
tec
execute0_lowered:
.L_overlay_start_1:
0x0: {  	(tag) =	ssettag $0x1  }
0x1: {  	s0 =	srdreg.scid;
	s1 =	rddreg [dreg:$0x0]  }
0x2: {  	s2 =	rddreg [dreg:$0x1];
	s9 =	stileid.u32  }
0x3: {  	s3 =	simm.s32 $0x0;
	s31 =	simm.s32 $0x0;
	s6 =	smul.u32 $0x28000, s9  }
0x4: {  	s0 =	sand.u32 $0x1, s0;
	[smem:$0x7FF] =	sst s3;
	s19 =	smul.u32 $0xA000, s9  }
0x5: {  	s4 =	sshll.u32 s0, $0x4;
	_ =	strace $0x8000004A;
	s23 =	ssub.s32 $0x2, s0  }
0x6: {  	s0 =	smul.u32 $0xA0000, s0;
	s4 =	sor.u32 s9, s4;
	s8 =	sshrl.u32 s23, $0x1  }
0x7: {  	s6 =	sshrl.u32 s6, $0x2;
	s28 =	sadd.s32 s19, s2;
	s15 =	sadd.s32 $0x2000, s19  }
0x8: {  	s17 =	sadd.s32 $0x4000, s19;
	s20 =	sadd.s32 $0x6000, s19;
	s22 =	sadd.s32 $0x8000, s19  }
0x9: {  	s5 =	smul.u32 $0x4F0, s4;
	s4 =	sadd.s32 $0x2400, s1;
	s24 =	ssub.s32 s23, s8  }
0xa: {  	[dreg:$0x5] =	wrdreg s28;
	s14 =	sadd.s32 s0, s19;
	s16 =	sadd.s32 s0, s15  }
0xb: {  	s15 =	sadd.s32 s15, s2;
	s18 =	sadd.s32 s0, s17;
	s17 =	sadd.s32 s17, s2  }
0xc: {  	s21 =	sadd.s32 s0, s20;
	s19 =	sadd.s32 s20, s2;
	s0 =	sadd.s32 s0, s22  }
0xd: {  	s23 =	simm.s32 $0xCF00;
	s29 =	smax.u32 s24, $0x1;
	s14 =	sshrl.u32 s14, $0x3  }
0xe: {  	s16 =	sshrl.u32 s16, $0x3;
	s18 =	sshrl.u32 s18, $0x3;
	s30 =	sshrl.u32 s21, $0x3  }
0xf: {  	s21 =	sadd.s32 s22, s2;
	s0 =	sshrl.u32 s0, $0x3;
	s24 =	simm.s32 $0x5  }
0x10: {  	s7 =	sadd.s32 s5, s1;
	s1 =	sadd.s32 $0x29A00, s1;
	s5 =	sadd.s32 s6, s2  }
0x11: {  	[dreg:$0x6] =	wrdreg s29;
	s25 =	sadd.s32 $0x1FC00, s7;
	s26 =	sadd.s32 $0x15E00, s7  }
0x12: {  	s10 =	sadd.s32 $0x2000, s5;
	s11 =	sadd.s32 $0x4000, s5;
	s12 =	sadd.s32 $0x6000, s5  }
0x13: {  	s13 =	sadd.s32 $0x8000, s5;
	s14 =	sadd.s32 s1, s14;
	s16 =	sadd.s32 s1, s16  }
0x14: {  	s18 =	sadd.s32 s1, s18;
	s20 =	sadd.s32 s1, s30;
	[dreg:$0x3] =	wrdreg s25  }
0x15: {  	v0 =	vimm.f32 $0.0e+00;
	s22 =	sadd.s32 s1, s0;
	[dreg:$0x4] =	wrdreg s26;
	s25 =	simm.s32 $0x80  }
.LBB2_1:
0x16: {  	s0 =	sand.u32 $0x7F00, s3  }
0x17: {  	s1 =	sand.u32 $0x30, s3;
	s26 =	sshrl.u32 s0, $0x2  }
0x18: {  	s0 =	simm.s32 $0x40;
	s26 =	sor.u32 s1, s26;
	s1 =	simm.s32 $0x0  }
.LBB2_2:
0x19: {  	p0 =	sne.s32 s0, $0x7FC0  }
0x1a: {  	[tilespmem:s26+$0xCF00] =	vst v0;
	s1 =	sadd.s32 $0x10, s1;
	s26 =	smov.u32 s0;
	s0 =	sadd.s32 $0x40, s0  }
.Ltmp0:
0x1b: {  	(pc) =	sbr.rel @p0 .LBB2_2-.Ltmp0, $4  }
0x1c: {  	_ = 	snop  }
0x1d: {  	s26 =	sand.u32 $0x7F00, s26  }
0x1e: {  	s28 =	sand.u32 $0x30, s1;
	s26 =	sshrl.u32 s26, $0x2  }
0x1f: {  	s26 =	sor.u32 s28, s26  }
0x20: {  	[tilespmem:s26+$0xCF00] =	vst v0  }
0x21: {  	[spmem:s5] =	stream.linear.scatter [tilespmem:s23], [sflag:$0x5], $0x2000, $0x38;
	[tilespmem:$0x18F00] =	vst v63  }
0x22: {  	_ =	swait.ge [sflag:s24], $0x2000  }
0x23: {  	[sflag:s24] =	ssyncset.done $0x0  }
0x24: {  	[sflag:s24] =	ssyncadd.s32 $0xFFFFE000  }
0x25: {  	[spmem:s10] =	stream.linear.scatter [tilespmem:s23], [sflag:$0x5], $0x2000, $0x38;
	[tilespmem:$0x18F00] =	vst v63  }
0x26: {  	_ =	swait.ge [sflag:s24], $0x2000  }
0x27: {  	[sflag:s24] =	ssyncset.done $0x0  }
0x28: {  	[sflag:s24] =	ssyncadd.s32 $0xFFFFE000  }
0x29: {  	[spmem:s11] =	stream.linear.scatter [tilespmem:s23], [sflag:$0x5], $0x2000, $0x38;
	[tilespmem:$0x18F00] =	vst v63  }
0x2a: {  	_ =	swait.ge [sflag:s24], $0x2000  }
0x2b: {  	[sflag:s24] =	ssyncset.done $0x0  }
0x2c: {  	[sflag:s24] =	ssyncadd.s32 $0xFFFFE000  }
0x2d: {  	[spmem:s12] =	stream.linear.scatter [tilespmem:s23], [sflag:$0x5], $0x2000, $0x38;
	[tilespmem:$0x18F00] =	vst v63  }
0x2e: {  	_ =	swait.ge [sflag:s24], $0x2000  }
0x2f: {  	[sflag:s24] =	ssyncset.done $0x0  }
0x30: {  	[sflag:s24] =	ssyncadd.s32 $0xFFFFE000  }
0x31: {  	[spmem:s13] =	stream.linear.scatter [tilespmem:s23], [sflag:$0x5], $0x2000, $0x38;
	[tilespmem:$0x18F00] =	vst v63  }
0x32: {  	_ =	swait.ge [sflag:s24], $0x2000  }
0x33: {  	[sflag:s24] =	ssyncset.done $0x0  }
0x34: {  	[sflag:s24] =	ssyncadd.s32 $0xFFFFE000  }
0x35: {  	[bflag:$0x0] =	sbarrier.arrive $0xFFFF  }
0x36: {  	s0 =	rddreg [dreg:$0x3]  }
0x37: {  	[tilespmem:s3], [sflag:$0x5] =	stream.linear.gather [hbm4b:s0+s3], $0x2780, $0x38;
	[tilespmem:$0x18F00] =	vst v63  }
0x38: {  	_ =	swait.ge [sflag:s24], $0x2780  }
0x39: {  	[sflag:s24] =	ssyncset.done $0x0  }
0x3a: {  	s28 =	simm.s32 $0x2780;
	s30 =	rddreg [dreg:$0x4];
	[sflag:s24] =	ssyncadd.s32 $0xFFFFD880  }
0x3b: {  	[tilespmem:s28], [sflag:$0x5] =	stream.linear.gather [hbm4b:s30+s3], $0x2780, $0x38;
	[tilespmem:$0x18F00] =	vst v63  }
0x3c: {  	s1 =	simm.s32 $0x4F00;
	s6 =	simm.s32 $0x6F00;
	_ =	swait.ge [sflag:s24], $0x2780  }
0x3d: {  	p0 =	por $0x0, $0x0;
	s0 =	simm.s32 $0x3;
	[sflag:s24] =	ssyncset.done $0x0  }
0x3e: {  	s8 =	simm.s32 $0x0;
	s0 =	sand.u32 @!p0 $0x3, s0;
	[sflag:s24] =	ssyncadd.s32 $0xFFFFD880  }
0x3f: {  	[tilespmem:s1], [sflag:$0x1] =	stream.indirect.gather [hbm4b:s4+s25], $0x40, s3, s25, $0xb8;
	[tilespmem:$0x18F00] =	vst v63  }
0x40: {  	s7 =	simm.s32 $0x100;
	s29 =	sand.u32 $0x3, s8;
	s26 =	sshll.u32 @!p0 s0, $0xD  }
0x41: {  	[tilespmem:s6], [sflag:$0x2] =	stream.indirect.gather [hbm4b:s4+s25], $0x40, s25, s25, $0xb8;
	[tilespmem:$0x18F00] =	vst v63  }
0x42: {  	s0 =	sadd.s32 @!p0 $0x1, s0;
	s26 =	sadd.s32 @!p0 $0x4F00, s26;
	s1 =	simm.s32 $0x8F00  }
0x43: {  	[tilespmem:s1], [sflag:$0x3] =	stream.indirect.gather [hbm4b:s4+s25], $0x40, s7, s25, $0xb8;
	[tilespmem:$0x18F00] =	vst v63  }
0x44: {  	s30 =	simm.s32 @!p0 $0x80;
	s6 =	sadd.s32 $0x1, s29;
	s1 =	simm.s32 $0x180  }
0x45: {  	[tilespmem:s26], [sflag:s0] =	stream.indirect.gather @!p0 [hbm4b:s4+s30], $0x40, s1, s30, $0xb8;
	[tilespmem:$0x18F00] =	vst v63  }
0x46: {  	s9 =	sshll.u32 s29, $0xD;
	_ =	swait.ge [sflag:s6], $0x2000  }
0x47: {  	s29 =	sadd.s32 $0x4F00, s9;
	s1 =	simm.s32 $0x4;
	[sflag:s6] =	ssyncset.done $0x0  }
0x48: {  	s26 =	simm.s32 $0x5;
	s0 =	simm.s32 $0x2800;
	[sflag:s6] =	ssyncadd.s32 $0xFFFFE000  }
0x49: {  	[spmem:s2] =	stream.indirect.scatter.add.f32 [tilespmem:s29], [sflag:$0x5], $0x40, s28, s25, $0xb8;
	[tilespmem:$0x18F00] =	vst v63  }
0x4a: {  	s30 =	simm.s32 $0x1;
	p0 =	por $0x0, $0x0;
	_ =	swait.ge [sflag:s24], $0x2000  }
0x4b: {  	s28 =	simm.s32 $0x200;
	s29 =	sand.u32 $0x3, s30;
	[sflag:s24] =	ssyncset.done $0x0  }
.LBB2_4:
0x4c: {  	s6 =	sand.u32 @!p0 $0x3, s1;
	[sflag:s24] =	ssyncadd.s32 $0xFFFFE000  }
0x4d: {  	s1 =	smov.u32 s26;
	s26 =	sadd.s32 $0x1, s26;
	s30 =	smov.u32 s0  }
0x4e: {  	p1 =	sne.s32 s26, $0x52;
	s7 =	sshll.u32 @!p0 s6, $0xD;
	s6 =	sadd.s32 @!p0 $0x1, s6  }
0x4f: {  	s8 =	simm.s32 @!p0 $0x80;
	s9 =	sadd.s32 $0x1, s29;
	s7 =	sadd.s32 @!p0 $0x4F00, s7  }
0x50: {  	[tilespmem:s7], [sflag:s6] =	stream.indirect.gather @!p0 [hbm4b:s4+s8], $0x40, s28, s8, $0xb8;
	[tilespmem:$0x18F00] =	vst v63  }
0x51: {  	_ =	swait.ge [sflag:s9], $0x2000  }
.Ltmp1:
0x52: {  	s6 =	sshll.u32 s29, $0xD;
	[sflag:s9] =	ssyncset.done $0x0;
	(pc) =	sbr.rel @p1 .LBB2_4-.Ltmp1, $4  }
0x53: {  	s0 =	sadd.s32 $0x80, s0;
	s6 =	sadd.s32 $0x4F00, s6;
	[sflag:s9] =	ssyncadd.s32 $0xFFFFE000  }
0x54: {  	[spmem:s2] =	stream.indirect.scatter.add.f32 [tilespmem:s6], [sflag:$0x5], $0x40, s30, s25, $0xb8;
	[tilespmem:$0x18F00] =	vst v63  }
0x55: {  	s28 =	sadd.s32 $0x80, s28;
	s6 =	sadd.s32 $0xFFFFFFFD, s1;
	_ =	swait.ge [sflag:s24], $0x2000  }
0x56: {  	s29 =	sand.u32 $0x3, s6;
	p0 =	sgt.u32 s6, $0x4B;
	[sflag:s24] =	ssyncset.done $0x0  }
0x57: {  	s1 =	sand.u32 @!p0 $0x3, s1  }
0x58: {  	[sflag:s24] =	ssyncadd.s32 $0xFFFFE000;
	s7 =	simm.s32 @!p0 $0x80;
	s6 =	sshll.u32 @!p0 s1, $0xD  }
0x59: {  	s8 =	sadd.s32 $0x1, s29;
	s1 =	sadd.s32 @!p0 $0x1, s1;
	s6 =	sadd.s32 @!p0 $0x4F00, s6  }
0x5a: {  	[tilespmem:s6], [sflag:s1] =	stream.indirect.gather @!p0 [hbm4b:s4+s7], $0x40, s28, s7, $0xb8;
	[tilespmem:$0x18F00] =	vst v63  }
0x5b: {  	_ =	swait.ge [sflag:s8], $0x2000  }
0x5c: {  	s28 =	sshll.u32 s29, $0xD;
	[sflag:s8] =	ssyncset.done $0x0  }
0x5d: {  	s1 =	sadd.s32 $0x4F00, s28;
	[sflag:s8] =	ssyncadd.s32 $0xFFFFE000  }
0x5e: {  	[spmem:s2] =	stream.indirect.scatter.add.f32 [tilespmem:s1], [sflag:$0x5], $0x40, s0, s25, $0xb8;
	[tilespmem:$0x18F00] =	vst v63  }
0x5f: {  	_ =	swait.ge [sflag:s24], $0x2000  }
0x60: {  	[sflag:s24] =	ssyncset.done $0x0  }
0x61: {  	[sflag:s24] =	ssyncadd.s32 $0xFFFFE000  }
0x62: {  	[bflag:$0x0] =	sbarrier.arrive $0xFFFF  }
0x63: {  	s29 =	rddreg [dreg:$0x5]  }
0x64: {  	[tilespmem:s23], [sflag:$0x5] =	stream.linear.gather [spmem:s29], $0x2000, $0x38;
	[tilespmem:$0x18F00] =	vst v63  }
0x65: {  	_ =	swait.ge [sflag:s24], $0x2000  }
0x66: {  	[sflag:s24] =	ssyncset.done $0x0  }
0x67: {  	[sflag:s24] =	ssyncadd.s32 $0xFFFFE000  }
0x68: {  	[hbm4b:s14+s3] =	stream.linear.scatter [tilespmem:s23], [sflag:$0x5], $0x2000, $0x38;
	[tilespmem:$0x18F00] =	vst v63  }
0x69: {  	_ =	swait.ge [sflag:s24], $0x2000  }
0x6a: {  	[sflag:s24] =	ssyncset.done $0x0  }
0x6b: {  	[sflag:s24] =	ssyncadd.s32 $0xFFFFE000  }
0x6c: {  	[tilespmem:s23], [sflag:$0x5] =	stream.linear.gather [spmem:s15], $0x2000, $0x38;
	[tilespmem:$0x18F00] =	vst v63  }
0x6d: {  	_ =	swait.ge [sflag:s24], $0x2000  }
0x6e: {  	[sflag:s24] =	ssyncset.done $0x0  }
0x6f: {  	[sflag:s24] =	ssyncadd.s32 $0xFFFFE000  }
0x70: {  	[hbm4b:s16+s3] =	stream.linear.scatter [tilespmem:s23], [sflag:$0x5], $0x2000, $0x38;
	[tilespmem:$0x18F00] =	vst v63  }
0x71: {  	_ =	swait.ge [sflag:s24], $0x2000  }
0x72: {  	[sflag:s24] =	ssyncset.done $0x0  }
0x73: {  	[sflag:s24] =	ssyncadd.s32 $0xFFFFE000  }
0x74: {  	[tilespmem:s23], [sflag:$0x5] =	stream.linear.gather [spmem:s17], $0x2000, $0x38;
	[tilespmem:$0x18F00] =	vst v63  }
0x75: {  	_ =	swait.ge [sflag:s24], $0x2000  }
0x76: {  	[sflag:s24] =	ssyncset.done $0x0  }
0x77: {  	[sflag:s24] =	ssyncadd.s32 $0xFFFFE000  }
0x78: {  	[hbm4b:s18+s3] =	stream.linear.scatter [tilespmem:s23], [sflag:$0x5], $0x2000, $0x38;
	[tilespmem:$0x18F00] =	vst v63  }
0x79: {  	_ =	swait.ge [sflag:s24], $0x2000  }
0x7a: {  	[sflag:s24] =	ssyncset.done $0x0  }
0x7b: {  	[sflag:s24] =	ssyncadd.s32 $0xFFFFE000  }
0x7c: {  	[tilespmem:s23], [sflag:$0x5] =	stream.linear.gather [spmem:s19], $0x2000, $0x38;
	[tilespmem:$0x18F00] =	vst v63  }
0x7d: {  	_ =	swait.ge [sflag:s24], $0x2000  }
0x7e: {  	[sflag:s24] =	ssyncset.done $0x0  }
0x7f: {  	[sflag:s24] =	ssyncadd.s32 $0xFFFFE000  }
0x80: {  	[hbm4b:s20+s3] =	stream.linear.scatter [tilespmem:s23], [sflag:$0x5], $0x2000, $0x38;
	[tilespmem:$0x18F00] =	vst v63  }
0x81: {  	_ =	swait.ge [sflag:s24], $0x2000  }
0x82: {  	[sflag:s24] =	ssyncset.done $0x0  }
0x83: {  	[sflag:s24] =	ssyncadd.s32 $0xFFFFE000  }
0x84: {  	[tilespmem:s23], [sflag:$0x5] =	stream.linear.gather [spmem:s21], $0x2000, $0x38;
	[tilespmem:$0x18F00] =	vst v63  }
0x85: {  	_ =	swait.ge [sflag:s24], $0x2000  }
0x86: {  	[sflag:s24] =	ssyncset.done $0x0  }
0x87: {  	[sflag:s24] =	ssyncadd.s32 $0xFFFFE000  }
0x88: {  	[hbm4b:s22+s3] =	stream.linear.scatter [tilespmem:s23], [sflag:$0x5], $0x2000, $0x38;
	[tilespmem:$0x18F00] =	vst v63  }
0x89: {  	_ =	swait.ge [sflag:s24], $0x2000  }
0x8a: {  	s31 =	sadd.s32 $0x1, s31;
	s30 =	rddreg [dreg:$0x6]  }
0x8b: {  	p0 =	sne.s32 s31, s30  }
.Ltmp2:
0x8c: {  	_ = 	snop;
	(pc) =	sbr.rel @p0 .LBB2_1-.Ltmp2, $3  }
0x8d: {  	_ =	sdelay $0x1  }
0x8e: {  	[sflag:s24] =	ssyncset.done $0x0  }
0x8f: {  	[sflag:s24] =	ssyncadd.s32 $0xFFFFE000  }
0x90: {  	_ =	sfence.sel $0x180000  }
0x91: {  	[bflag:$0x0] =	sbarrier.arrive $0xFFFF  }
0x92: {  	_ =	strace $0x9000004A  }
0x93: {  	s0 =	stileid.u32;
	[bflag:$0x2] =	sbarrier.arrive $0xFFFF  }
0x94: {  	p0 =	sne.s32 s0, $0x0;
	s0 =	rddreg [dreg:$0x2]  }
0x95: {  	s0 =	sadd.s32 @!p0 $0x100000, s0  }
0x96: {  	[sflag:s0] =	ssyncadd.tile.s32 @!p0 $0x1;
	_ =	shalt  }
.Lfunc_end2:
_tile_overlayer_lowered:
.L_overlay_start_2:
0x97: {  	(tag) =	ssettag $0x2  }
0x98: {  	s0 =	rddreg [dreg:$0x0];
	s2 =	stileid.u32  }
0x99: {  	s1 =	rddreg [dreg:$0x1];
	p0 =	sne.s32 s2, $0x0  }
0x9a: {  	s3 =	rddreg [dreg:$0x2];
	[bflag:$0x3] =	sbarrier.arrive $0xFFFF;
	s2 =	simm.s32 @!p0 $0x1C05  }
0x9b: {  	[timem:s3], [sflag:s2] =	dma.local @!p0 [hbm:s0], s1  }
0x9c: {  	s0 =	simm.s32 @!p0 $0x5  }
0x9d: {  	_ =	swait.ge @!p0 [sflag:s0], s1  }
0x9e: {  	s1 =	ssub.s32 @!p0 $0x0, s1;
	[sflag:s0] =	ssyncset.done @!p0 $0x0  }
0x9f: {  	[sflag:s0] =	ssyncadd.s32 @!p0 s1  }
0xa0: {  	[bflag:$0x3] =	sbarrier.arrive $0xFFFF  }
0xa1: {  	_ =	shalt  }

// kernel: kernel.15.cloned.1.call-start
scs
__scs_entry_jumppad:
0x0: {  	(pc) =	sbr.rel $0x88, $3  }
0x1: {  	(tag) =	ssettag $0x0;
	lr =	simm.s32 $0x1  }
0x2: {  	[smem:$0x3F90] =	sst lr;
	_ =	strace $0xD0000000  }
0x3: {  	_ = 	snop  }
0x4: {  	_ = 	snop  }
0x5: {  	_ = 	snop  }
0x6: {  	_ = 	snop  }
0x7: {  	_ = 	snop  }
__scs_overlays_trampoline_lowered:
0x8: {  	[smem:$0x3F9F] =	sst s0  }
0x9: {  	[smem:$0x3FA0] =	sst s1  }
0xa: {  	[smem:$0x3FA1] =	sst s2  }
0xb: {  	[smem:$0x3FA2] =	sst s3  }
0xc: {  	[smem:$0x3FA3] =	sst s4  }
0xd: {  	[smem:$0x3FA4] =	sst s5  }
0xe: {  	[smem:$0x3FA5] =	sst s6  }
0xf: {  	[smem:$0x3FA6] =	sst s7  }
0x10: {  	[smem:$0x3FA7] =	sst s8  }
0x11: {  	[smem:$0x3FA8] =	sst s9;
	s0 =	simm.s32 @!p0 $0x0  }
0x12: {  	s1 =	sld [smem:$0x3F8E];
	s0 =	simm.s32 @p0 $0x1  }
0x13: {  	[smem:$0x3FA9] =	sst s0;
	s0 =	simm.s32 @!p1 $0x0  }
0x14: {  	s2 =	sld [smem:$0x3F8D];
	s0 =	simm.s32 @p1 $0x1  }
0x15: {  	[smem:$0x3FAA] =	sst s0;
	s0 =	simm.s32 @!p2 $0x0  }
0x16: {  	s3 =	sld [smem:$0x3FDB];
	s0 =	simm.s32 @p2 $0x1  }
0x17: {  	s4 =	simm.s32 $0x1BF5;
	[smem:$0x3FAC] =	sst s0  }
0x18: {  	s0 =	sld [smem:$0x3F8F];
	_ =	swait.ge [sflag:s4], $0x0  }
0x19: {  	s7 =	sld [smem:$0x3F90]  }
0x1a: {  	s8 =	sadd.s32 $0xFFFFE003, lr  }
0x1b: {  	s9 =	sadd.s32 $0xFFFFFEF7, lr;
	s5 =	simm.s32 $0xFFFFFFFF;
	p2 =	slt.u32 s8, $0xFFFFF086  }
0x1c: {  	p1 =	slt.u32 s9, $0xF7A;
	s5 =	simm.s32 @!p2 $0x0  }
0x1d: {  	s5 =	simm.s32 @p1 $0x1;
	p0 =	seq.s32 s7, s2  }
0x1e: {  	s7 =	smul.u32 @!p0 $0xF7A, s2;
	p2 =	seq.s32 @!p0 s5, $0x0  }
0x1f: {  	s9 =	smul.u32 $0xF7A, s1;
	s8 =	simm.s32 @!p0 $0x1BF5;
	p2 =	por !p2, p0  }
0x20: {  	[sflag:s8] =	ssyncset.s32 @!p0 $0xFFFFF086;
	s6 =	sadd.s32 @!p0 s3, s7;
	s7 =	simm.s32 @!p0 $0x108  }
0x21: {  	s3 =	sadd.s32 s3, s9;
	s6 =	sadd.s32 @!p0 $0x88, s6;
	s7 =	simm.s32 @p2 $0x1082  }
0x22: {  	[simem:s7], [sflag:s8] =	dma.local @!p0 [hbm:s6], $0xF7A  }
0x23: {  	s9 =	sor.u32 $0xD0000000, s2;
	s6 =	simm.s32 $0x108;
	_ =	swait.ge @!p0 [sflag:s8], $0x0  }
0x24: {  	s3 =	sadd.s32 $0x88, s3;
	s6 =	simm.s32 @!p1 $0x1082;
	[sflag:s4] =	ssyncset.s32 $0xFFFFF086  }
0x25: {  	[simem:s6], [sflag:s4] =	dma.local [hbm:s3], $0xF7A  }
0x26: {  	[smem:$0x3F90] =	sst s1;
	(tag) =	ssettag s2;
	_ =	strace s9  }
0x27: {  	s1 =	sld [smem:$0x3FA0]  }
0x28: {  	s2 =	sld [smem:$0x3FA1]  }
0x29: {  	s4 =	sld [smem:$0x3FA3]  }
0x2a: {  	p0 =	seq.s32 s5, $0x0;
	s5 =	sld [smem:$0x3FA4]  }
0x2b: {  	s6 =	sld [smem:$0x3FA5]  }
0x2c: {  	s7 =	sld [smem:$0x3FA6]  }
0x2d: {  	s3 =	simm.s32 $0x108;
	s8 =	sld [smem:$0x3FA7]  }
0x2e: {  	s3 =	simm.s32 @!p0 $0x1082;
	s9 =	sld [smem:$0x3FA8]  }
0x2f: {  	lr =	sadd.s32 s0, s3;
	s0 =	sld [smem:$0x3F9F]  }
0x30: {  	s3 =	sld [smem:$0x3FA2]  }
0x31: {  	[smem:$0x3FAB] =	sst s10  }
0x32: {  	s10 =	sld [smem:$0x3FA9];
	_ =	sdelay $0x3  }
0x33: {  	p0 =	seq.s32 s10, $0x1;
	s10 =	sld [smem:$0x3FAB];
	_ =	sdelay $0x3  }
0x34: {  	[smem:$0x3FAB] =	sst s10  }
0x35: {  	s10 =	sld [smem:$0x3FAA];
	_ =	sdelay $0x3  }
0x36: {  	p1 =	seq.s32 s10, $0x1;
	s10 =	sld [smem:$0x3FAB];
	_ =	sdelay $0x3  }
0x37: {  	[smem:$0x3FAB] =	sst s10  }
0x38: {  	s10 =	sld [smem:$0x3FAC]  }
0x39: {  	_ = 	snop;
	(pc) =	sbr.ind lr, $3  }
0x3a: {  	_ = 	snop  }
0x3b: {  	_ = 	snop  }
0x3c: {  	p2 =	seq.s32 s10, $0x1;
	s10 =	sld [smem:$0x3FAB]  }
0x3d: {  	_ =	shalt  }
0x3e: {  	_ =	shalt  }
0x3f: {  	_ =	shalt  }
0x40: {  	_ =	shalt  }
0x41: {  	_ =	shalt  }
0x42: {  	_ =	shalt  }
0x43: {  	_ =	shalt  }
0x44: {  	_ =	shalt  }
0x45: {  	_ =	shalt  }
0x46: {  	_ =	shalt  }
0x47: {  	_ =	shalt  }
0x48: {  	_ =	shalt  }
0x49: {  	_ =	shalt  }
0x4a: {  	_ =	shalt  }
0x4b: {  	_ =	shalt  }
0x4c: {  	_ =	shalt  }
0x4d: {  	_ =	shalt  }
0x4e: {  	_ =	shalt  }
0x4f: {  	_ =	shalt  }
0x50: {  	_ =	shalt  }
0x51: {  	_ =	shalt  }
0x52: {  	_ =	shalt  }
0x53: {  	_ =	shalt  }
0x54: {  	_ =	shalt  }
0x55: {  	_ =	shalt  }
0x56: {  	_ =	shalt  }
0x57: {  	_ =	shalt  }
0x58: {  	_ =	shalt  }
0x59: {  	_ =	shalt  }
0x5a: {  	_ =	shalt  }
0x5b: {  	_ =	shalt  }
0x5c: {  	_ =	shalt  }
0x5d: {  	_ =	shalt  }
0x5e: {  	_ =	shalt  }
0x5f: {  	_ =	shalt  }
0x60: {  	_ =	shalt  }
0x61: {  	_ =	shalt  }
0x62: {  	_ =	shalt  }
0x63: {  	_ =	shalt  }
0x64: {  	_ =	shalt  }
0x65: {  	_ =	shalt  }
0x66: {  	_ =	shalt  }
0x67: {  	_ =	shalt  }
0x68: {  	_ =	shalt  }
0x69: {  	_ =	shalt  }
0x6a: {  	_ =	shalt  }
0x6b: {  	_ =	shalt  }
0x6c: {  	_ =	shalt  }
0x6d: {  	_ =	shalt  }
0x6e: {  	_ =	shalt  }
0x6f: {  	_ =	shalt  }
0x70: {  	_ =	shalt  }
0x71: {  	_ =	shalt  }
0x72: {  	_ =	shalt  }
0x73: {  	_ =	shalt  }
0x74: {  	_ =	shalt  }
0x75: {  	_ =	shalt  }
0x76: {  	_ =	shalt  }
0x77: {  	_ =	shalt  }
0x78: {  	_ =	shalt  }
0x79: {  	_ =	shalt  }
0x7a: {  	_ =	shalt  }
0x7b: {  	_ =	shalt  }
0x7c: {  	_ =	shalt  }
0x7d: {  	_ =	shalt  }
0x7e: {  	_ =	shalt  }
0x7f: {  	_ =	shalt  }
0x80: {  	_ =	shalt  }
0x81: {  	_ =	shalt  }
0x82: {  	_ =	shalt  }
0x83: {  	_ =	shalt  }
0x84: {  	_ =	shalt  }
0x85: {  	_ =	shalt  }
0x86: {  	_ =	shalt  }
0x87: {  	_ =	shalt  }
.Lfunc_end0:
.L_simem_size_0:
called_computation.2_lowered:
.L_overlay_start_0:
0x88: {  	s2 =	sld [smem:$0x3FD9]  }
0x89: {  	s3 =	sld [smem:$0x3FFE];
	_ =	sdelay $0x1  }
0x8a: {  	s1 =	srdreg.scid  }
0x8b: {  	s0 =	sand.u32 $0x1, s1  }
0x8c: {  	s16 =	sshll.u32 s0, $0xA;
	s2 =	sadd.s32 s3, s2  }
0x8d: {  	s2 =	sadd.s32 s2, s16  }
0x8e: {  	[smem:$0x3FB7] =	sst s2  }
0x8f: {  	_ = 	snop  }
0x90: {  	(tm) =	ssettm $0x1  }
0x91: {  	s17 =	sld [smem:$0x3FFB];
	_ =	sdelay $0x3  }
0x92: {  	_ =	strace s17  }
0x93: {  	s2 =	sld [smem:$0x3FFC];
	_ =	sdelay $0x3  }
0x94: {  	_ =	strace s2  }
0x95: {  	s2 =	sld [smem:$0x3FFD];
	_ =	sdelay $0x3  }
0x96: {  	_ =	strace s2  }
0x97: {  	_ =	strace $0x8FFFFFFF  }
0x98: {  	s18 =	sld [smem:$0x3FDB];
	_ =	sdelay $0x1  }
0x99: {  	s19 =	simm.s32 $_scs_section_size  }
0x9a: {  	s4 =	simm.s32 $_size__tile_overlayer_lowered;
	s5 =	simm.s32 $_tile_overlayer_lowered  }
0x9b: {  	s22 =	simm.s32 $0x1BFF;
	s21 =	sshll.u32 s5, $0x1;
	s2 =	sadd.s32 s19, s18  }
0x9c: {  	s6 =	simm.s32 $0x0;
	s20 =	sshll.u32 s4, $0x1;
	s4 =	sadd.s32 s21, s2  }
0x9d: {  	[timem:s6], [sflag:s22] =	dma.local [hbm:s4], s20  }
0x9e: {  	_ =	swait.ge [sflag:s22], s20  }
0x9f: {  	s3 =	ssub.s32 $0x0, s20;
	[sflag:s22] =	ssyncset.done $0x0  }
0xa0: {  	[sflag:s22] =	ssyncadd.s32 s3;
	_ =	sdelay $0x1  }
0xa1: {  	s23 =	simm.s32 $0x1B8B  }
0xa2: {  	_ =	swait.ge [sflag:s23], $0x1  }
0xa3: {  	[sflag:s23] =	ssyncset.done $0x0  }
0xa4: {  	s25 =	simm.s32 $0x1B8E;
	s24 =	sld [smem:$0x3FFE];
	[sflag:s23] =	ssyncadd.s32 $0xFFFFFFFF  }
0xa5: {  	s26 =	simm.s32 $execute0_lowered;
	[smem:$0x3FD2] =	sst s25  }
0xa6: {  	s4 =	sshll.u32 s26, $0x1;
	_ =	strace $0x8000004C;
	[dreg:$0x1] =	wrdreg $0xFFFFFFFF  }
0xa7: {  	s28 =	simm.s32 $_size_execute0_lowered;
	s2 =	sadd.s32 s2, s4;
	[dreg:$0x0] =	wrdreg $0x0  }
0xa8: {  	s4 =	sshll.u32 s28, $0x1;
	[dreg:$0x2] =	wrdreg s2  }
0xa9: {  	[dreg:$0x3] =	wrdreg s4  }
0xaa: {  	[dreg:$0x4] =	wrdreg $0xC0  }
0xab: {  	_ =	task [dreg:s6], $0x5FFFF  }
0xac: {  	[dreg:$0x1] =	wrdreg $0xFFFFFFFF  }
0xad: {  	[dreg:$0x0] =	wrdreg $0x60  }
0xae: {  	[dreg:$0x2] =	wrdreg s24  }
0xaf: {  	[dreg:$0x3] =	wrdreg $0xEF000  }
0xb0: {  	[dreg:$0x4] =	wrdreg $0x9  }
0xb1: {  	_ =	task.clear_ibuf [dreg:s6], $0x5FFFF;
	_ =	strace $0x9000004C  }
0xb2: {  	s29 =	simm.s32 $0x9;
	_ =	strace $0x8000004E  }
0xb3: {  	_ =	swait.ge [sflag:s29], $0x1  }
0xb4: {  	[sflag:s29] =	ssyncadd.s32 $0xFFFFFFFF  }
0xb5: {  	_ =	strace $0x9000004E  }
0xb6: {  	_ =	sfence  }
0xb7: {  	s30 =	sld [smem:$0x0];
	_ =	sdelay $0x2  }
0xb8: {  	s31 =	sshll.u32 s1, $0xD;
	s1 =	sshrl.u32 s1, $0x2  }
0xb9: {  	s3 =	sand.u32 $0x4000, s31;
	s1 =	sadd.s32 s1, s30  }
0xba: {  	s0 =	sor.u32 s3, s0;
	s1 =	sshll.u32 s1, $0x11  }
0xbb: {  	s0 =	sor.u32 s1, s0  }
0xbc: {  	s0 =	sadd.s32 $0x8F2B, s0  }
0xbd: {  	[sflag:s0] =	ssyncadd.remote.s32 $0x1  }
0xbe: {  	_ =	sfence.sel $0xFFFF  }
0xbf: {  	[dreg:$0x0] =	wrdreg $0xFFFFFFFF;
	(pc) =	sbr.abs _section_cstart, $3  }
0xc0: {  	[dreg:$0x1] =	wrdreg $0xFFFFFFFF  }
0xc1: {  	_ =	task.clear_ibuf [dreg:s6], $0x2FFFF;
	_ =	strace $0x9FFFFFFF  }
0xc2: {  	(tm) =	ssettm $0x7FFFFFFF  }
0xc3: {  	_ =	shalt  }
tec
execute0_lowered:
.L_overlay_start_1:
0x0: {  	(tag) =	ssettag $0x1  }
0x1: {  	s0 =	srdreg.scid;
	s1 =	rddreg [dreg:$0x0]  }
0x2: {  	s2 =	rddreg [dreg:$0x1];
	s9 =	stileid.u32  }
0x3: {  	s3 =	simm.s32 $0x0;
	s31 =	simm.s32 $0x0;
	s6 =	smul.u32 $0x28000, s9  }
0x4: {  	s0 =	sand.u32 $0x1, s0;
	[smem:$0x7FF] =	sst s3;
	s19 =	smul.u32 $0xA000, s9  }
0x5: {  	s4 =	sshll.u32 s0, $0x4;
	_ =	strace $0x8000004D;
	s23 =	ssub.s32 $0x2, s0  }
0x6: {  	s0 =	smul.u32 $0xA0000, s0;
	s4 =	sor.u32 s9, s4;
	s8 =	sshrl.u32 s23, $0x1  }
0x7: {  	s6 =	sshrl.u32 s6, $0x2;
	s28 =	sadd.s32 s19, s2;
	s15 =	sadd.s32 $0x2000, s19  }
0x8: {  	s17 =	sadd.s32 $0x4000, s19;
	s20 =	sadd.s32 $0x6000, s19;
	s22 =	sadd.s32 $0x8000, s19  }
0x9: {  	s5 =	smul.u32 $0x4F0, s4;
	s4 =	sadd.s32 $0x2400, s1;
	s24 =	ssub.s32 s23, s8  }
0xa: {  	[dreg:$0x5] =	wrdreg s28;
	s14 =	sadd.s32 s0, s19;
	s16 =	sadd.s32 s0, s15  }
0xb: {  	s15 =	sadd.s32 s15, s2;
	s18 =	sadd.s32 s0, s17;
	s17 =	sadd.s32 s17, s2  }
0xc: {  	s21 =	sadd.s32 s0, s20;
	s19 =	sadd.s32 s20, s2;
	s0 =	sadd.s32 s0, s22  }
0xd: {  	s23 =	simm.s32 $0xCF00;
	s29 =	smax.u32 s24, $0x1;
	s14 =	sshrl.u32 s14, $0x3  }
0xe: {  	s16 =	sshrl.u32 s16, $0x3;
	s18 =	sshrl.u32 s18, $0x3;
	s30 =	sshrl.u32 s21, $0x3  }
0xf: {  	s21 =	sadd.s32 s22, s2;
	s0 =	sshrl.u32 s0, $0x3;
	s24 =	simm.s32 $0x5  }
0x10: {  	s7 =	sadd.s32 s5, s1;
	s1 =	sadd.s32 $0x29A00, s1;
	s5 =	sadd.s32 s6, s2  }
0x11: {  	[dreg:$0x6] =	wrdreg s29;
	s25 =	sadd.s32 $0x1FC00, s7;
	s26 =	sadd.s32 $0x15E00, s7  }
0x12: {  	s10 =	sadd.s32 $0x2000, s5;
	s11 =	sadd.s32 $0x4000, s5;
	s12 =	sadd.s32 $0x6000, s5  }
0x13: {  	s13 =	sadd.s32 $0x8000, s5;
	s14 =	sadd.s32 s1, s14;
	s16 =	sadd.s32 s1, s16  }
0x14: {  	s18 =	sadd.s32 s1, s18;
	s20 =	sadd.s32 s1, s30;
	[dreg:$0x3] =	wrdreg s25  }
0x15: {  	v0 =	vimm.f32 $0.0e+00;
	s22 =	sadd.s32 s1, s0;
	[dreg:$0x4] =	wrdreg s26;
	s25 =	simm.s32 $0x80  }
.LBB2_1:
0x16: {  	s0 =	sand.u32 $0x7F00, s3  }
0x17: {  	s1 =	sand.u32 $0x30, s3;
	s26 =	sshrl.u32 s0, $0x2  }
0x18: {  	s0 =	simm.s32 $0x40;
	s26 =	sor.u32 s1, s26;
	s1 =	simm.s32 $0x0  }
.LBB2_2:
0x19: {  	p0 =	sne.s32 s0, $0x7FC0  }
0x1a: {  	[tilespmem:s26+$0xCF00] =	vst v0;
	s1 =	sadd.s32 $0x10, s1;
	s26 =	smov.u32 s0;
	s0 =	sadd.s32 $0x40, s0  }
.Ltmp0:
0x1b: {  	(pc) =	sbr.rel @p0 .LBB2_2-.Ltmp0, $4  }
0x1c: {  	_ = 	snop  }
0x1d: {  	s26 =	sand.u32 $0x7F00, s26  }
0x1e: {  	s28 =	sand.u32 $0x30, s1;
	s26 =	sshrl.u32 s26, $0x2  }
0x1f: {  	s26 =	sor.u32 s28, s26  }
0x20: {  	[tilespmem:s26+$0xCF00] =	vst v0  }
0x21: {  	[spmem:s5] =	stream.linear.scatter [tilespmem:s23], [sflag:$0x5], $0x2000, $0x38;
	[tilespmem:$0x18F00] =	vst v63  }
0x22: {  	_ =	swait.ge [sflag:s24], $0x2000  }
0x23: {  	[sflag:s24] =	ssyncset.done $0x0  }
0x24: {  	[sflag:s24] =	ssyncadd.s32 $0xFFFFE000  }
0x25: {  	[spmem:s10] =	stream.linear.scatter [tilespmem:s23], [sflag:$0x5], $0x2000, $0x38;
	[tilespmem:$0x18F00] =	vst v63  }
0x26: {  	_ =	swait.ge [sflag:s24], $0x2000  }
0x27: {  	[sflag:s24] =	ssyncset.done $0x0  }
0x28: {  	[sflag:s24] =	ssyncadd.s32 $0xFFFFE000  }
0x29: {  	[spmem:s11] =	stream.linear.scatter [tilespmem:s23], [sflag:$0x5], $0x2000, $0x38;
	[tilespmem:$0x18F00] =	vst v63  }
0x2a: {  	_ =	swait.ge [sflag:s24], $0x2000  }
0x2b: {  	[sflag:s24] =	ssyncset.done $0x0  }
0x2c: {  	[sflag:s24] =	ssyncadd.s32 $0xFFFFE000  }
0x2d: {  	[spmem:s12] =	stream.linear.scatter [tilespmem:s23], [sflag:$0x5], $0x2000, $0x38;
	[tilespmem:$0x18F00] =	vst v63  }
0x2e: {  	_ =	swait.ge [sflag:s24], $0x2000  }
0x2f: {  	[sflag:s24] =	ssyncset.done $0x0  }
0x30: {  	[sflag:s24] =	ssyncadd.s32 $0xFFFFE000  }
0x31: {  	[spmem:s13] =	stream.linear.scatter [tilespmem:s23], [sflag:$0x5], $0x2000, $0x38;
	[tilespmem:$0x18F00] =	vst v63  }
0x32: {  	_ =	swait.ge [sflag:s24], $0x2000  }
0x33: {  	[sflag:s24] =	ssyncset.done $0x0  }
0x34: {  	[sflag:s24] =	ssyncadd.s32 $0xFFFFE000  }
0x35: {  	[bflag:$0x0] =	sbarrier.arrive $0xFFFF  }
0x36: {  	s0 =	rddreg [dreg:$0x3]  }
0x37: {  	[tilespmem:s3], [sflag:$0x5] =	stream.linear.gather [hbm4b:s0+s3], $0x2780, $0x38;
	[tilespmem:$0x18F00] =	vst v63  }
0x38: {  	_ =	swait.ge [sflag:s24], $0x2780  }
0x39: {  	[sflag:s24] =	ssyncset.done $0x0  }
0x3a: {  	s28 =	simm.s32 $0x2780;
	s30 =	rddreg [dreg:$0x4];
	[sflag:s24] =	ssyncadd.s32 $0xFFFFD880  }
0x3b: {  	[tilespmem:s28], [sflag:$0x5] =	stream.linear.gather [hbm4b:s30+s3], $0x2780, $0x38;
	[tilespmem:$0x18F00] =	vst v63  }
0x3c: {  	s1 =	simm.s32 $0x4F00;
	s6 =	simm.s32 $0x6F00;
	_ =	swait.ge [sflag:s24], $0x2780  }
0x3d: {  	p0 =	por $0x0, $0x0;
	s0 =	simm.s32 $0x3;
	[sflag:s24] =	ssyncset.done $0x0  }
0x3e: {  	s8 =	simm.s32 $0x0;
	s0 =	sand.u32 @!p0 $0x3, s0;
	[sflag:s24] =	ssyncadd.s32 $0xFFFFD880  }
0x3f: {  	[tilespmem:s1], [sflag:$0x1] =	stream.indirect.gather [hbm4b:s4+s25], $0x40, s3, s25, $0xb8;
	[tilespmem:$0x18F00] =	vst v63  }
0x40: {  	s7 =	simm.s32 $0x100;
	s29 =	sand.u32 $0x3, s8;
	s26 =	sshll.u32 @!p0 s0, $0xD  }
0x41: {  	[tilespmem:s6], [sflag:$0x2] =	stream.indirect.gather [hbm4b:s4+s25], $0x40, s25, s25, $0xb8;
	[tilespmem:$0x18F00] =	vst v63  }
0x42: {  	s0 =	sadd.s32 @!p0 $0x1, s0;
	s26 =	sadd.s32 @!p0 $0x4F00, s26;
	s1 =	simm.s32 $0x8F00  }
0x43: {  	[tilespmem:s1], [sflag:$0x3] =	stream.indirect.gather [hbm4b:s4+s25], $0x40, s7, s25, $0xb8;
	[tilespmem:$0x18F00] =	vst v63  }
0x44: {  	s30 =	simm.s32 @!p0 $0x80;
	s6 =	sadd.s32 $0x1, s29;
	s1 =	simm.s32 $0x180  }
0x45: {  	[tilespmem:s26], [sflag:s0] =	stream.indirect.gather @!p0 [hbm4b:s4+s30], $0x40, s1, s30, $0xb8;
	[tilespmem:$0x18F00] =	vst v63  }
0x46: {  	s9 =	sshll.u32 s29, $0xD;
	_ =	swait.ge [sflag:s6], $0x2000  }
0x47: {  	s29 =	sadd.s32 $0x4F00, s9;
	s1 =	simm.s32 $0x4;
	[sflag:s6] =	ssyncset.done $0x0  }
0x48: {  	s26 =	simm.s32 $0x5;
	s0 =	simm.s32 $0x2800;
	[sflag:s6] =	ssyncadd.s32 $0xFFFFE000  }
0x49: {  	[spmem:s2] =	stream.indirect.scatter.add.f32 [tilespmem:s29], [sflag:$0x5], $0x40, s28, s25, $0xb8;
	[tilespmem:$0x18F00] =	vst v63  }
0x4a: {  	s30 =	simm.s32 $0x1;
	p0 =	por $0x0, $0x0;
	_ =	swait.ge [sflag:s24], $0x2000  }
0x4b: {  	s28 =	simm.s32 $0x200;
	s29 =	sand.u32 $0x3, s30;
	[sflag:s24] =	ssyncset.done $0x0  }
.LBB2_4:
0x4c: {  	s6 =	sand.u32 @!p0 $0x3, s1;
	[sflag:s24] =	ssyncadd.s32 $0xFFFFE000  }
0x4d: {  	s1 =	smov.u32 s26;
	s26 =	sadd.s32 $0x1, s26;
	s30 =	smov.u32 s0  }
0x4e: {  	p1 =	sne.s32 s26, $0x52;
	s7 =	sshll.u32 @!p0 s6, $0xD;
	s6 =	sadd.s32 @!p0 $0x1, s6  }
0x4f: {  	s8 =	simm.s32 @!p0 $0x80;
	s9 =	sadd.s32 $0x1, s29;
	s7 =	sadd.s32 @!p0 $0x4F00, s7  }
0x50: {  	[tilespmem:s7], [sflag:s6] =	stream.indirect.gather @!p0 [hbm4b:s4+s8], $0x40, s28, s8, $0xb8;
	[tilespmem:$0x18F00] =	vst v63  }
0x51: {  	_ =	swait.ge [sflag:s9], $0x2000  }
.Ltmp1:
0x52: {  	s6 =	sshll.u32 s29, $0xD;
	[sflag:s9] =	ssyncset.done $0x0;
	(pc) =	sbr.rel @p1 .LBB2_4-.Ltmp1, $4  }
0x53: {  	s0 =	sadd.s32 $0x80, s0;
	s6 =	sadd.s32 $0x4F00, s6;
	[sflag:s9] =	ssyncadd.s32 $0xFFFFE000  }
0x54: {  	[spmem:s2] =	stream.indirect.scatter.add.f32 [tilespmem:s6], [sflag:$0x5], $0x40, s30, s25, $0xb8;
	[tilespmem:$0x18F00] =	vst v63  }
0x55: {  	s28 =	sadd.s32 $0x80, s28;
	s6 =	sadd.s32 $0xFFFFFFFD, s1;
	_ =	swait.ge [sflag:s24], $0x2000  }
0x56: {  	s29 =	sand.u32 $0x3, s6;
	p0 =	sgt.u32 s6, $0x4B;
	[sflag:s24] =	ssyncset.done $0x0  }
0x57: {  	s1 =	sand.u32 @!p0 $0x3, s1  }
0x58: {  	[sflag:s24] =	ssyncadd.s32 $0xFFFFE000;
	s7 =	simm.s32 @!p0 $0x80;
	s6 =	sshll.u32 @!p0 s1, $0xD  }
0x59: {  	s8 =	sadd.s32 $0x1, s29;
	s1 =	sadd.s32 @!p0 $0x1, s1;
	s6 =	sadd.s32 @!p0 $0x4F00, s6  }
0x5a: {  	[tilespmem:s6], [sflag:s1] =	stream.indirect.gather @!p0 [hbm4b:s4+s7], $0x40, s28, s7, $0xb8;
	[tilespmem:$0x18F00] =	vst v63  }
0x5b: {  	_ =	swait.ge [sflag:s8], $0x2000  }
0x5c: {  	s28 =	sshll.u32 s29, $0xD;
	[sflag:s8] =	ssyncset.done $0x0  }
0x5d: {  	s1 =	sadd.s32 $0x4F00, s28;
	[sflag:s8] =	ssyncadd.s32 $0xFFFFE000  }
0x5e: {  	[spmem:s2] =	stream.indirect.scatter.add.f32 [tilespmem:s1], [sflag:$0x5], $0x40, s0, s25, $0xb8;
	[tilespmem:$0x18F00] =	vst v63  }
0x5f: {  	_ =	swait.ge [sflag:s24], $0x2000  }
0x60: {  	[sflag:s24] =	ssyncset.done $0x0  }
0x61: {  	[sflag:s24] =	ssyncadd.s32 $0xFFFFE000  }
0x62: {  	[bflag:$0x0] =	sbarrier.arrive $0xFFFF  }
0x63: {  	s29 =	rddreg [dreg:$0x5]  }
0x64: {  	[tilespmem:s23], [sflag:$0x5] =	stream.linear.gather [spmem:s29], $0x2000, $0x38;
	[tilespmem:$0x18F00] =	vst v63  }
0x65: {  	_ =	swait.ge [sflag:s24], $0x2000  }
0x66: {  	[sflag:s24] =	ssyncset.done $0x0  }
0x67: {  	[sflag:s24] =	ssyncadd.s32 $0xFFFFE000  }
0x68: {  	[hbm4b:s14+s3] =	stream.linear.scatter [tilespmem:s23], [sflag:$0x5], $0x2000, $0x38;
	[tilespmem:$0x18F00] =	vst v63  }
0x69: {  	_ =	swait.ge [sflag:s24], $0x2000  }
0x6a: {  	[sflag:s24] =	ssyncset.done $0x0  }
0x6b: {  	[sflag:s24] =	ssyncadd.s32 $0xFFFFE000  }
0x6c: {  	[tilespmem:s23], [sflag:$0x5] =	stream.linear.gather [spmem:s15], $0x2000, $0x38;
	[tilespmem:$0x18F00] =	vst v63  }
0x6d: {  	_ =	swait.ge [sflag:s24], $0x2000  }
0x6e: {  	[sflag:s24] =	ssyncset.done $0x0  }
0x6f: {  	[sflag:s24] =	ssyncadd.s32 $0xFFFFE000  }
0x70: {  	[hbm4b:s16+s3] =	stream.linear.scatter [tilespmem:s23], [sflag:$0x5], $0x2000, $0x38;
	[tilespmem:$0x18F00] =	vst v63  }
0x71: {  	_ =	swait.ge [sflag:s24], $0x2000  }
0x72: {  	[sflag:s24] =	ssyncset.done $0x0  }
0x73: {  	[sflag:s24] =	ssyncadd.s32 $0xFFFFE000  }
0x74: {  	[tilespmem:s23], [sflag:$0x5] =	stream.linear.gather [spmem:s17], $0x2000, $0x38;
	[tilespmem:$0x18F00] =	vst v63  }
0x75: {  	_ =	swait.ge [sflag:s24], $0x2000  }
0x76: {  	[sflag:s24] =	ssyncset.done $0x0  }
0x77: {  	[sflag:s24] =	ssyncadd.s32 $0xFFFFE000  }
0x78: {  	[hbm4b:s18+s3] =	stream.linear.scatter [tilespmem:s23], [sflag:$0x5], $0x2000, $0x38;
	[tilespmem:$0x18F00] =	vst v63  }
0x79: {  	_ =	swait.ge [sflag:s24], $0x2000  }
0x7a: {  	[sflag:s24] =	ssyncset.done $0x0  }
0x7b: {  	[sflag:s24] =	ssyncadd.s32 $0xFFFFE000  }
0x7c: {  	[tilespmem:s23], [sflag:$0x5] =	stream.linear.gather [spmem:s19], $0x2000, $0x38;
	[tilespmem:$0x18F00] =	vst v63  }
0x7d: {  	_ =	swait.ge [sflag:s24], $0x2000  }
0x7e: {  	[sflag:s24] =	ssyncset.done $0x0  }
0x7f: {  	[sflag:s24] =	ssyncadd.s32 $0xFFFFE000  }
0x80: {  	[hbm4b:s20+s3] =	stream.linear.scatter [tilespmem:s23], [sflag:$0x5], $0x2000, $0x38;
	[tilespmem:$0x18F00] =	vst v63  }
0x81: {  	_ =	swait.ge [sflag:s24], $0x2000  }
0x82: {  	[sflag:s24] =	ssyncset.done $0x0  }
0x83: {  	[sflag:s24] =	ssyncadd.s32 $0xFFFFE000  }
0x84: {  	[tilespmem:s23], [sflag:$0x5] =	stream.linear.gather [spmem:s21], $0x2000, $0x38;
	[tilespmem:$0x18F00] =	vst v63  }
0x85: {  	_ =	swait.ge [sflag:s24], $0x2000  }
0x86: {  	[sflag:s24] =	ssyncset.done $0x0  }
0x87: {  	[sflag:s24] =	ssyncadd.s32 $0xFFFFE000  }
0x88: {  	[hbm4b:s22+s3] =	stream.linear.scatter [tilespmem:s23], [sflag:$0x5], $0x2000, $0x38;
	[tilespmem:$0x18F00] =	vst v63  }
0x89: {  	_ =	swait.ge [sflag:s24], $0x2000  }
0x8a: {  	s31 =	sadd.s32 $0x1, s31;
	s30 =	rddreg [dreg:$0x6]  }
0x8b: {  	p0 =	sne.s32 s31, s30  }
.Ltmp2:
0x8c: {  	_ = 	snop;
	(pc) =	sbr.rel @p0 .LBB2_1-.Ltmp2, $3  }
0x8d: {  	_ =	sdelay $0x1  }
0x8e: {  	[sflag:s24] =	ssyncset.done $0x0  }
0x8f: {  	[sflag:s24] =	ssyncadd.s32 $0xFFFFE000  }
0x90: {  	_ =	sfence.sel $0x180000  }
0x91: {  	[bflag:$0x0] =	sbarrier.arrive $0xFFFF  }
0x92: {  	_ =	strace $0x9000004D  }
0x93: {  	s0 =	stileid.u32;
	[bflag:$0x2] =	sbarrier.arrive $0xFFFF  }
0x94: {  	p0 =	sne.s32 s0, $0x0;
	s0 =	rddreg [dreg:$0x2]  }
0x95: {  	s0 =	sadd.s32 @!p0 $0x100000, s0  }
0x96: {  	[sflag:s0] =	ssyncadd.tile.s32 @!p0 $0x1;
	_ =	shalt  }
.Lfunc_end2:
_tile_overlayer_lowered:
.L_overlay_start_2:
0x97: {  	(tag) =	ssettag $0x2  }
0x98: {  	s0 =	rddreg [dreg:$0x0];
	s2 =	stileid.u32  }
0x99: {  	s1 =	rddreg [dreg:$0x1];
	p0 =	sne.s32 s2, $0x0  }
0x9a: {  	s3 =	rddreg [dreg:$0x2];
	[bflag:$0x3] =	sbarrier.arrive $0xFFFF;
	s2 =	simm.s32 @!p0 $0x1C05  }
0x9b: {  	[timem:s3], [sflag:s2] =	dma.local @!p0 [hbm:s0], s1  }
0x9c: {  	s0 =	simm.s32 @!p0 $0x5  }
0x9d: {  	_ =	swait.ge @!p0 [sflag:s0], s1  }
0x9e: {  	s1 =	ssub.s32 @!p0 $0x0, s1;
	[sflag:s0] =	ssyncset.done @!p0 $0x0  }
0x9f: {  	[sflag:s0] =	ssyncadd.s32 @!p0 s1  }
0xa0: {  	[bflag:$0x3] =	sbarrier.arrive $0xFFFF  }
0xa1: {  	_ =	shalt  }

// kernel: kernel.9.cloned.1.call-start
scs
__scs_entry_jumppad:
0x0: {  	(pc) =	sbr.rel $0x88, $3  }
0x1: {  	(tag) =	ssettag $0x0;
	lr =	simm.s32 $0x1  }
0x2: {  	[smem:$0x3F90] =	sst lr;
	_ =	strace $0xD0000000  }
0x3: {  	_ = 	snop  }
0x4: {  	_ = 	snop  }
0x5: {  	_ = 	snop  }
0x6: {  	_ = 	snop  }
0x7: {  	_ = 	snop  }
__scs_overlays_trampoline_lowered:
0x8: {  	[smem:$0x3F9F] =	sst s0  }
0x9: {  	[smem:$0x3FA0] =	sst s1  }
0xa: {  	[smem:$0x3FA1] =	sst s2  }
0xb: {  	[smem:$0x3FA2] =	sst s3  }
0xc: {  	[smem:$0x3FA3] =	sst s4  }
0xd: {  	[smem:$0x3FA4] =	sst s5  }
0xe: {  	[smem:$0x3FA5] =	sst s6  }
0xf: {  	[smem:$0x3FA6] =	sst s7  }
0x10: {  	[smem:$0x3FA7] =	sst s8  }
0x11: {  	[smem:$0x3FA8] =	sst s9;
	s0 =	simm.s32 @!p0 $0x0  }
0x12: {  	s1 =	sld [smem:$0x3F8E];
	s0 =	simm.s32 @p0 $0x1  }
0x13: {  	[smem:$0x3FA9] =	sst s0;
	s0 =	simm.s32 @!p1 $0x0  }
0x14: {  	s2 =	sld [smem:$0x3F8D];
	s0 =	simm.s32 @p1 $0x1  }
0x15: {  	[smem:$0x3FAA] =	sst s0;
	s0 =	simm.s32 @!p2 $0x0  }
0x16: {  	s3 =	sld [smem:$0x3FDB];
	s0 =	simm.s32 @p2 $0x1  }
0x17: {  	s4 =	simm.s32 $0x1BF5;
	[smem:$0x3FAC] =	sst s0  }
0x18: {  	s0 =	sld [smem:$0x3F8F];
	_ =	swait.ge [sflag:s4], $0x0  }
0x19: {  	s7 =	sld [smem:$0x3F90]  }
0x1a: {  	s8 =	sadd.s32 $0xFFFFE003, lr  }
0x1b: {  	s9 =	sadd.s32 $0xFFFFFEF7, lr;
	s5 =	simm.s32 $0xFFFFFFFF;
	p2 =	slt.u32 s8, $0xFFFFF086  }
0x1c: {  	p1 =	slt.u32 s9, $0xF7A;
	s5 =	simm.s32 @!p2 $0x0  }
0x1d: {  	s5 =	simm.s32 @p1 $0x1;
	p0 =	seq.s32 s7, s2  }
0x1e: {  	s7 =	smul.u32 @!p0 $0xF7A, s2;
	p2 =	seq.s32 @!p0 s5, $0x0  }
0x1f: {  	s9 =	smul.u32 $0xF7A, s1;
	s8 =	simm.s32 @!p0 $0x1BF5;
	p2 =	por !p2, p0  }
0x20: {  	[sflag:s8] =	ssyncset.s32 @!p0 $0xFFFFF086;
	s6 =	sadd.s32 @!p0 s3, s7;
	s7 =	simm.s32 @!p0 $0x108  }
0x21: {  	s3 =	sadd.s32 s3, s9;
	s6 =	sadd.s32 @!p0 $0x88, s6;
	s7 =	simm.s32 @p2 $0x1082  }
0x22: {  	[simem:s7], [sflag:s8] =	dma.local @!p0 [hbm:s6], $0xF7A  }
0x23: {  	s9 =	sor.u32 $0xD0000000, s2;
	s6 =	simm.s32 $0x108;
	_ =	swait.ge @!p0 [sflag:s8], $0x0  }
0x24: {  	s3 =	sadd.s32 $0x88, s3;
	s6 =	simm.s32 @!p1 $0x1082;
	[sflag:s4] =	ssyncset.s32 $0xFFFFF086  }
0x25: {  	[simem:s6], [sflag:s4] =	dma.local [hbm:s3], $0xF7A  }
0x26: {  	[smem:$0x3F90] =	sst s1;
	(tag) =	ssettag s2;
	_ =	strace s9  }
0x27: {  	s1 =	sld [smem:$0x3FA0]  }
0x28: {  	s2 =	sld [smem:$0x3FA1]  }
0x29: {  	s4 =	sld [smem:$0x3FA3]  }
0x2a: {  	p0 =	seq.s32 s5, $0x0;
	s5 =	sld [smem:$0x3FA4]  }
0x2b: {  	s6 =	sld [smem:$0x3FA5]  }
0x2c: {  	s7 =	sld [smem:$0x3FA6]  }
0x2d: {  	s3 =	simm.s32 $0x108;
	s8 =	sld [smem:$0x3FA7]  }
0x2e: {  	s3 =	simm.s32 @!p0 $0x1082;
	s9 =	sld [smem:$0x3FA8]  }
0x2f: {  	lr =	sadd.s32 s0, s3;
	s0 =	sld [smem:$0x3F9F]  }
0x30: {  	s3 =	sld [smem:$0x3FA2]  }
0x31: {  	[smem:$0x3FAB] =	sst s10  }
0x32: {  	s10 =	sld [smem:$0x3FA9];
	_ =	sdelay $0x3  }
0x33: {  	p0 =	seq.s32 s10, $0x1;
	s10 =	sld [smem:$0x3FAB];
	_ =	sdelay $0x3  }
0x34: {  	[smem:$0x3FAB] =	sst s10  }
0x35: {  	s10 =	sld [smem:$0x3FAA];
	_ =	sdelay $0x3  }
0x36: {  	p1 =	seq.s32 s10, $0x1;
	s10 =	sld [smem:$0x3FAB];
	_ =	sdelay $0x3  }
0x37: {  	[smem:$0x3FAB] =	sst s10  }
0x38: {  	s10 =	sld [smem:$0x3FAC]  }
0x39: {  	_ = 	snop;
	(pc) =	sbr.ind lr, $3  }
0x3a: {  	_ = 	snop  }
0x3b: {  	_ = 	snop  }
0x3c: {  	p2 =	seq.s32 s10, $0x1;
	s10 =	sld [smem:$0x3FAB]  }
0x3d: {  	_ =	shalt  }
0x3e: {  	_ =	shalt  }
0x3f: {  	_ =	shalt  }
0x40: {  	_ =	shalt  }
0x41: {  	_ =	shalt  }
0x42: {  	_ =	shalt  }
0x43: {  	_ =	shalt  }
0x44: {  	_ =	shalt  }
0x45: {  	_ =	shalt  }
0x46: {  	_ =	shalt  }
0x47: {  	_ =	shalt  }
0x48: {  	_ =	shalt  }
0x49: {  	_ =	shalt  }
0x4a: {  	_ =	shalt  }
0x4b: {  	_ =	shalt  }
0x4c: {  	_ =	shalt  }
0x4d: {  	_ =	shalt  }
0x4e: {  	_ =	shalt  }
0x4f: {  	_ =	shalt  }
0x50: {  	_ =	shalt  }
0x51: {  	_ =	shalt  }
0x52: {  	_ =	shalt  }
0x53: {  	_ =	shalt  }
0x54: {  	_ =	shalt  }
0x55: {  	_ =	shalt  }
0x56: {  	_ =	shalt  }
0x57: {  	_ =	shalt  }
0x58: {  	_ =	shalt  }
0x59: {  	_ =	shalt  }
0x5a: {  	_ =	shalt  }
0x5b: {  	_ =	shalt  }
0x5c: {  	_ =	shalt  }
0x5d: {  	_ =	shalt  }
0x5e: {  	_ =	shalt  }
0x5f: {  	_ =	shalt  }
0x60: {  	_ =	shalt  }
0x61: {  	_ =	shalt  }
0x62: {  	_ =	shalt  }
0x63: {  	_ =	shalt  }
0x64: {  	_ =	shalt  }
0x65: {  	_ =	shalt  }
0x66: {  	_ =	shalt  }
0x67: {  	_ =	shalt  }
0x68: {  	_ =	shalt  }
0x69: {  	_ =	shalt  }
0x6a: {  	_ =	shalt  }
0x6b: {  	_ =	shalt  }
0x6c: {  	_ =	shalt  }
0x6d: {  	_ =	shalt  }
0x6e: {  	_ =	shalt  }
0x6f: {  	_ =	shalt  }
0x70: {  	_ =	shalt  }
0x71: {  	_ =	shalt  }
0x72: {  	_ =	shalt  }
0x73: {  	_ =	shalt  }
0x74: {  	_ =	shalt  }
0x75: {  	_ =	shalt  }
0x76: {  	_ =	shalt  }
0x77: {  	_ =	shalt  }
0x78: {  	_ =	shalt  }
0x79: {  	_ =	shalt  }
0x7a: {  	_ =	shalt  }
0x7b: {  	_ =	shalt  }
0x7c: {  	_ =	shalt  }
0x7d: {  	_ =	shalt  }
0x7e: {  	_ =	shalt  }
0x7f: {  	_ =	shalt  }
0x80: {  	_ =	shalt  }
0x81: {  	_ =	shalt  }
0x82: {  	_ =	shalt  }
0x83: {  	_ =	shalt  }
0x84: {  	_ =	shalt  }
0x85: {  	_ =	shalt  }
0x86: {  	_ =	shalt  }
0x87: {  	_ =	shalt  }
.Lfunc_end0:
.L_simem_size_0:
called_computation_lowered:
.L_overlay_start_0:
0x88: {  	s2 =	sld [smem:$0x3FD9]  }
0x89: {  	s3 =	sld [smem:$0x3FFE];
	_ =	sdelay $0x1  }
0x8a: {  	s1 =	srdreg.scid  }
0x8b: {  	s0 =	sand.u32 $0x1, s1  }
0x8c: {  	s16 =	sshll.u32 s0, $0xA;
	s2 =	sadd.s32 s3, s2  }
0x8d: {  	s2 =	sadd.s32 s2, s16  }
0x8e: {  	[smem:$0x3FB7] =	sst s2  }
0x8f: {  	_ = 	snop  }
0x90: {  	(tm) =	ssettm $0x1  }
0x91: {  	s17 =	sld [smem:$0x3FFB];
	_ =	sdelay $0x3  }
0x92: {  	_ =	strace s17  }
0x93: {  	s2 =	sld [smem:$0x3FFC];
	_ =	sdelay $0x3  }
0x94: {  	_ =	strace s2  }
0x95: {  	s2 =	sld [smem:$0x3FFD];
	_ =	sdelay $0x3  }
0x96: {  	_ =	strace s2  }
0x97: {  	_ =	strace $0x8FFFFFFF  }
0x98: {  	s18 =	sld [smem:$0x3FDB];
	_ =	sdelay $0x1  }
0x99: {  	s19 =	simm.s32 $_scs_section_size  }
0x9a: {  	s4 =	simm.s32 $_size__tile_overlayer_lowered;
	s5 =	simm.s32 $_tile_overlayer_lowered  }
0x9b: {  	s22 =	simm.s32 $0x1BFF;
	s21 =	sshll.u32 s5, $0x1;
	s2 =	sadd.s32 s19, s18  }
0x9c: {  	s6 =	simm.s32 $0x0;
	s20 =	sshll.u32 s4, $0x1;
	s4 =	sadd.s32 s21, s2  }
0x9d: {  	[timem:s6], [sflag:s22] =	dma.local [hbm:s4], s20  }
0x9e: {  	_ =	swait.ge [sflag:s22], s20  }
0x9f: {  	s3 =	ssub.s32 $0x0, s20;
	[sflag:s22] =	ssyncset.done $0x0  }
0xa0: {  	[sflag:s22] =	ssyncadd.s32 s3;
	_ =	sdelay $0x1  }
0xa1: {  	s23 =	simm.s32 $0x1B8B  }
0xa2: {  	_ =	swait.ge [sflag:s23], $0x1  }
0xa3: {  	[sflag:s23] =	ssyncset.done $0x0  }
0xa4: {  	s25 =	simm.s32 $0x1B8E;
	s24 =	sld [smem:$0x3FFE];
	[sflag:s23] =	ssyncadd.s32 $0xFFFFFFFF  }
0xa5: {  	s26 =	simm.s32 $execute0_lowered;
	[smem:$0x3FD2] =	sst s25  }
0xa6: {  	s4 =	sshll.u32 s26, $0x1;
	_ =	strace $0x80000046;
	[dreg:$0x1] =	wrdreg $0xFFFFFFFF  }
0xa7: {  	s28 =	simm.s32 $_size_execute0_lowered;
	s2 =	sadd.s32 s2, s4;
	[dreg:$0x0] =	wrdreg $0x0  }
0xa8: {  	s4 =	sshll.u32 s28, $0x1;
	[dreg:$0x2] =	wrdreg s2  }
0xa9: {  	[dreg:$0x3] =	wrdreg s4  }
0xaa: {  	[dreg:$0x4] =	wrdreg $0xC0  }
0xab: {  	_ =	task [dreg:s6], $0x5FFFF  }
0xac: {  	[dreg:$0x1] =	wrdreg $0xFFFFFFFF  }
0xad: {  	[dreg:$0x0] =	wrdreg $0x60  }
0xae: {  	[dreg:$0x2] =	wrdreg s24  }
0xaf: {  	[dreg:$0x3] =	wrdreg $0xEF000  }
0xb0: {  	[dreg:$0x4] =	wrdreg $0x9  }
0xb1: {  	_ =	task.clear_ibuf [dreg:s6], $0x5FFFF;
	_ =	strace $0x90000046  }
0xb2: {  	s29 =	simm.s32 $0x9;
	_ =	strace $0x80000048  }
0xb3: {  	_ =	swait.ge [sflag:s29], $0x1  }
0xb4: {  	[sflag:s29] =	ssyncadd.s32 $0xFFFFFFFF  }
0xb5: {  	_ =	strace $0x90000048  }
0xb6: {  	_ =	sfence  }
0xb7: {  	s30 =	sld [smem:$0x0];
	_ =	sdelay $0x2  }
0xb8: {  	s31 =	sshll.u32 s1, $0xD;
	s1 =	sshrl.u32 s1, $0x2  }
0xb9: {  	s3 =	sand.u32 $0x4000, s31;
	s1 =	sadd.s32 s1, s30  }
0xba: {  	s0 =	sor.u32 s3, s0;
	s1 =	sshll.u32 s1, $0x11  }
0xbb: {  	s0 =	sor.u32 s1, s0  }
0xbc: {  	s0 =	sadd.s32 $0x8F2B, s0  }
0xbd: {  	[sflag:s0] =	ssyncadd.remote.s32 $0x1  }
0xbe: {  	_ =	sfence.sel $0xFFFF  }
0xbf: {  	[dreg:$0x0] =	wrdreg $0xFFFFFFFF;
	(pc) =	sbr.abs _section_cstart, $3  }
0xc0: {  	[dreg:$0x1] =	wrdreg $0xFFFFFFFF  }
0xc1: {  	_ =	task.clear_ibuf [dreg:s6], $0x2FFFF;
	_ =	strace $0x9FFFFFFF  }
0xc2: {  	(tm) =	ssettm $0x7FFFFFFF  }
0xc3: {  	_ =	shalt  }
tec
execute0_lowered:
.L_overlay_start_1:
0x0: {  	(tag) =	ssettag $0x1  }
0x1: {  	s0 =	srdreg.scid;
	s1 =	rddreg [dreg:$0x0]  }
0x2: {  	s2 =	rddreg [dreg:$0x1];
	s9 =	stileid.u32  }
0x3: {  	s3 =	simm.s32 $0x0;
	s31 =	simm.s32 $0x0;
	s6 =	smul.u32 $0x28000, s9  }
0x4: {  	s0 =	sand.u32 $0x1, s0;
	[smem:$0x7FF] =	sst s3;
	s19 =	smul.u32 $0xA000, s9  }
0x5: {  	s4 =	sshll.u32 s0, $0x4;
	_ =	strace $0x80000047;
	s23 =	ssub.s32 $0x2, s0  }
0x6: {  	s0 =	smul.u32 $0xA0000, s0;
	s4 =	sor.u32 s9, s4;
	s8 =	sshrl.u32 s23, $0x1  }
0x7: {  	s6 =	sshrl.u32 s6, $0x2;
	s28 =	sadd.s32 s19, s2;
	s15 =	sadd.s32 $0x2000, s19  }
0x8: {  	s17 =	sadd.s32 $0x4000, s19;
	s20 =	sadd.s32 $0x6000, s19;
	s22 =	sadd.s32 $0x8000, s19  }
0x9: {  	s5 =	smul.u32 $0x4F0, s4;
	s4 =	sadd.s32 $0x2400, s1;
	s24 =	ssub.s32 s23, s8  }
0xa: {  	[dreg:$0x5] =	wrdreg s28;
	s14 =	sadd.s32 s0, s19;
	s16 =	sadd.s32 s0, s15  }
0xb: {  	s15 =	sadd.s32 s15, s2;
	s18 =	sadd.s32 s0, s17;
	s17 =	sadd.s32 s17, s2  }
0xc: {  	s21 =	sadd.s32 s0, s20;
	s19 =	sadd.s32 s20, s2;
	s0 =	sadd.s32 s0, s22  }
0xd: {  	s23 =	simm.s32 $0xCF00;
	s29 =	smax.u32 s24, $0x1;
	s14 =	sshrl.u32 s14, $0x3  }
0xe: {  	s16 =	sshrl.u32 s16, $0x3;
	s18 =	sshrl.u32 s18, $0x3;
	s30 =	sshrl.u32 s21, $0x3  }
0xf: {  	s21 =	sadd.s32 s22, s2;
	s0 =	sshrl.u32 s0, $0x3;
	s24 =	simm.s32 $0x5  }
0x10: {  	s7 =	sadd.s32 s5, s1;
	s1 =	sadd.s32 $0x29A00, s1;
	s5 =	sadd.s32 s6, s2  }
0x11: {  	[dreg:$0x6] =	wrdreg s29;
	s25 =	sadd.s32 $0x1FC00, s7;
	s26 =	sadd.s32 $0x15E00, s7  }
0x12: {  	s10 =	sadd.s32 $0x2000, s5;
	s11 =	sadd.s32 $0x4000, s5;
	s12 =	sadd.s32 $0x6000, s5  }
0x13: {  	s13 =	sadd.s32 $0x8000, s5;
	s14 =	sadd.s32 s1, s14;
	s16 =	sadd.s32 s1, s16  }
0x14: {  	s18 =	sadd.s32 s1, s18;
	s20 =	sadd.s32 s1, s30;
	[dreg:$0x3] =	wrdreg s25  }
0x15: {  	v0 =	vimm.f32 $0.0e+00;
	s22 =	sadd.s32 s1, s0;
	[dreg:$0x4] =	wrdreg s26;
	s25 =	simm.s32 $0x80  }
.LBB2_1:
0x16: {  	s0 =	sand.u32 $0x7F00, s3  }
0x17: {  	s1 =	sand.u32 $0x30, s3;
	s26 =	sshrl.u32 s0, $0x2  }
0x18: {  	s0 =	simm.s32 $0x40;
	s26 =	sor.u32 s1, s26;
	s1 =	simm.s32 $0x0  }
.LBB2_2:
0x19: {  	p0 =	sne.s32 s0, $0x7FC0  }
0x1a: {  	[tilespmem:s26+$0xCF00] =	vst v0;
	s1 =	sadd.s32 $0x10, s1;
	s26 =	smov.u32 s0;
	s0 =	sadd.s32 $0x40, s0  }
.Ltmp0:
0x1b: {  	(pc) =	sbr.rel @p0 .LBB2_2-.Ltmp0, $4  }
0x1c: {  	_ = 	snop  }
0x1d: {  	s26 =	sand.u32 $0x7F00, s26  }
0x1e: {  	s28 =	sand.u32 $0x30, s1;
	s26 =	sshrl.u32 s26, $0x2  }
0x1f: {  	s26 =	sor.u32 s28, s26  }
0x20: {  	[tilespmem:s26+$0xCF00] =	vst v0  }
0x21: {  	[spmem:s5] =	stream.linear.scatter [tilespmem:s23], [sflag:$0x5], $0x2000, $0x38;
	[tilespmem:$0x18F00] =	vst v63  }
0x22: {  	_ =	swait.ge [sflag:s24], $0x2000  }
0x23: {  	[sflag:s24] =	ssyncset.done $0x0  }
0x24: {  	[sflag:s24] =	ssyncadd.s32 $0xFFFFE000  }
0x25: {  	[spmem:s10] =	stream.linear.scatter [tilespmem:s23], [sflag:$0x5], $0x2000, $0x38;
	[tilespmem:$0x18F00] =	vst v63  }
0x26: {  	_ =	swait.ge [sflag:s24], $0x2000  }
0x27: {  	[sflag:s24] =	ssyncset.done $0x0  }
0x28: {  	[sflag:s24] =	ssyncadd.s32 $0xFFFFE000  }
0x29: {  	[spmem:s11] =	stream.linear.scatter [tilespmem:s23], [sflag:$0x5], $0x2000, $0x38;
	[tilespmem:$0x18F00] =	vst v63  }
0x2a: {  	_ =	swait.ge [sflag:s24], $0x2000  }
0x2b: {  	[sflag:s24] =	ssyncset.done $0x0  }
0x2c: {  	[sflag:s24] =	ssyncadd.s32 $0xFFFFE000  }
0x2d: {  	[spmem:s12] =	stream.linear.scatter [tilespmem:s23], [sflag:$0x5], $0x2000, $0x38;
	[tilespmem:$0x18F00] =	vst v63  }
0x2e: {  	_ =	swait.ge [sflag:s24], $0x2000  }
0x2f: {  	[sflag:s24] =	ssyncset.done $0x0  }
0x30: {  	[sflag:s24] =	ssyncadd.s32 $0xFFFFE000  }
0x31: {  	[spmem:s13] =	stream.linear.scatter [tilespmem:s23], [sflag:$0x5], $0x2000, $0x38;
	[tilespmem:$0x18F00] =	vst v63  }
0x32: {  	_ =	swait.ge [sflag:s24], $0x2000  }
0x33: {  	[sflag:s24] =	ssyncset.done $0x0  }
0x34: {  	[sflag:s24] =	ssyncadd.s32 $0xFFFFE000  }
0x35: {  	[bflag:$0x0] =	sbarrier.arrive $0xFFFF  }
0x36: {  	s0 =	rddreg [dreg:$0x3]  }
0x37: {  	[tilespmem:s3], [sflag:$0x5] =	stream.linear.gather [hbm4b:s0+s3], $0x2780, $0x38;
	[tilespmem:$0x18F00] =	vst v63  }
0x38: {  	_ =	swait.ge [sflag:s24], $0x2780  }
0x39: {  	[sflag:s24] =	ssyncset.done $0x0  }
0x3a: {  	s28 =	simm.s32 $0x2780;
	s30 =	rddreg [dreg:$0x4];
	[sflag:s24] =	ssyncadd.s32 $0xFFFFD880  }
0x3b: {  	[tilespmem:s28], [sflag:$0x5] =	stream.linear.gather [hbm4b:s30+s3], $0x2780, $0x38;
	[tilespmem:$0x18F00] =	vst v63  }
0x3c: {  	s1 =	simm.s32 $0x4F00;
	s6 =	simm.s32 $0x6F00;
	_ =	swait.ge [sflag:s24], $0x2780  }
0x3d: {  	p0 =	por $0x0, $0x0;
	s0 =	simm.s32 $0x3;
	[sflag:s24] =	ssyncset.done $0x0  }
0x3e: {  	s8 =	simm.s32 $0x0;
	s0 =	sand.u32 @!p0 $0x3, s0;
	[sflag:s24] =	ssyncadd.s32 $0xFFFFD880  }
0x3f: {  	[tilespmem:s1], [sflag:$0x1] =	stream.indirect.gather [hbm4b:s4+s25], $0x40, s3, s25, $0xb8;
	[tilespmem:$0x18F00] =	vst v63  }
0x40: {  	s7 =	simm.s32 $0x100;
	s29 =	sand.u32 $0x3, s8;
	s26 =	sshll.u32 @!p0 s0, $0xD  }
0x41: {  	[tilespmem:s6], [sflag:$0x2] =	stream.indirect.gather [hbm4b:s4+s25], $0x40, s25, s25, $0xb8;
	[tilespmem:$0x18F00] =	vst v63  }
0x42: {  	s0 =	sadd.s32 @!p0 $0x1, s0;
	s26 =	sadd.s32 @!p0 $0x4F00, s26;
	s1 =	simm.s32 $0x8F00  }
0x43: {  	[tilespmem:s1], [sflag:$0x3] =	stream.indirect.gather [hbm4b:s4+s25], $0x40, s7, s25, $0xb8;
	[tilespmem:$0x18F00] =	vst v63  }
0x44: {  	s30 =	simm.s32 @!p0 $0x80;
	s6 =	sadd.s32 $0x1, s29;
	s1 =	simm.s32 $0x180  }
0x45: {  	[tilespmem:s26], [sflag:s0] =	stream.indirect.gather @!p0 [hbm4b:s4+s30], $0x40, s1, s30, $0xb8;
	[tilespmem:$0x18F00] =	vst v63  }
0x46: {  	s9 =	sshll.u32 s29, $0xD;
	_ =	swait.ge [sflag:s6], $0x2000  }
0x47: {  	s29 =	sadd.s32 $0x4F00, s9;
	s1 =	simm.s32 $0x4;
	[sflag:s6] =	ssyncset.done $0x0  }
0x48: {  	s26 =	simm.s32 $0x5;
	s0 =	simm.s32 $0x2800;
	[sflag:s6] =	ssyncadd.s32 $0xFFFFE000  }
0x49: {  	[spmem:s2] =	stream.indirect.scatter.add.f32 [tilespmem:s29], [sflag:$0x5], $0x40, s28, s25, $0xb8;
	[tilespmem:$0x18F00] =	vst v63  }
0x4a: {  	s30 =	simm.s32 $0x1;
	p0 =	por $0x0, $0x0;
	_ =	swait.ge [sflag:s24], $0x2000  }
0x4b: {  	s28 =	simm.s32 $0x200;
	s29 =	sand.u32 $0x3, s30;
	[sflag:s24] =	ssyncset.done $0x0  }
.LBB2_4:
0x4c: {  	s6 =	sand.u32 @!p0 $0x3, s1;
	[sflag:s24] =	ssyncadd.s32 $0xFFFFE000  }
0x4d: {  	s1 =	smov.u32 s26;
	s26 =	sadd.s32 $0x1, s26;
	s30 =	smov.u32 s0  }
0x4e: {  	p1 =	sne.s32 s26, $0x52;
	s7 =	sshll.u32 @!p0 s6, $0xD;
	s6 =	sadd.s32 @!p0 $0x1, s6  }
0x4f: {  	s8 =	simm.s32 @!p0 $0x80;
	s9 =	sadd.s32 $0x1, s29;
	s7 =	sadd.s32 @!p0 $0x4F00, s7  }
0x50: {  	[tilespmem:s7], [sflag:s6] =	stream.indirect.gather @!p0 [hbm4b:s4+s8], $0x40, s28, s8, $0xb8;
	[tilespmem:$0x18F00] =	vst v63  }
0x51: {  	_ =	swait.ge [sflag:s9], $0x2000  }
.Ltmp1:
0x52: {  	s6 =	sshll.u32 s29, $0xD;
	[sflag:s9] =	ssyncset.done $0x0;
	(pc) =	sbr.rel @p1 .LBB2_4-.Ltmp1, $4  }
0x53: {  	s0 =	sadd.s32 $0x80, s0;
	s6 =	sadd.s32 $0x4F00, s6;
	[sflag:s9] =	ssyncadd.s32 $0xFFFFE000  }
0x54: {  	[spmem:s2] =	stream.indirect.scatter.add.f32 [tilespmem:s6], [sflag:$0x5], $0x40, s30, s25, $0xb8;
	[tilespmem:$0x18F00] =	vst v63  }
0x55: {  	s28 =	sadd.s32 $0x80, s28;
	s6 =	sadd.s32 $0xFFFFFFFD, s1;
	_ =	swait.ge [sflag:s24], $0x2000  }
0x56: {  	s29 =	sand.u32 $0x3, s6;
	p0 =	sgt.u32 s6, $0x4B;
	[sflag:s24] =	ssyncset.done $0x0  }
0x57: {  	s1 =	sand.u32 @!p0 $0x3, s1  }
0x58: {  	[sflag:s24] =	ssyncadd.s32 $0xFFFFE000;
	s7 =	simm.s32 @!p0 $0x80;
	s6 =	sshll.u32 @!p0 s1, $0xD  }
0x59: {  	s8 =	sadd.s32 $0x1, s29;
	s1 =	sadd.s32 @!p0 $0x1, s1;
	s6 =	sadd.s32 @!p0 $0x4F00, s6  }
0x5a: {  	[tilespmem:s6], [sflag:s1] =	stream.indirect.gather @!p0 [hbm4b:s4+s7], $0x40, s28, s7, $0xb8;
	[tilespmem:$0x18F00] =	vst v63  }
0x5b: {  	_ =	swait.ge [sflag:s8], $0x2000  }
0x5c: {  	s28 =	sshll.u32 s29, $0xD;
	[sflag:s8] =	ssyncset.done $0x0  }
0x5d: {  	s1 =	sadd.s32 $0x4F00, s28;
	[sflag:s8] =	ssyncadd.s32 $0xFFFFE000  }
0x5e: {  	[spmem:s2] =	stream.indirect.scatter.add.f32 [tilespmem:s1], [sflag:$0x5], $0x40, s0, s25, $0xb8;
	[tilespmem:$0x18F00] =	vst v63  }
0x5f: {  	_ =	swait.ge [sflag:s24], $0x2000  }
0x60: {  	[sflag:s24] =	ssyncset.done $0x0  }
0x61: {  	[sflag:s24] =	ssyncadd.s32 $0xFFFFE000  }
0x62: {  	[bflag:$0x0] =	sbarrier.arrive $0xFFFF  }
0x63: {  	s29 =	rddreg [dreg:$0x5]  }
0x64: {  	[tilespmem:s23], [sflag:$0x5] =	stream.linear.gather [spmem:s29], $0x2000, $0x38;
	[tilespmem:$0x18F00] =	vst v63  }
0x65: {  	_ =	swait.ge [sflag:s24], $0x2000  }
0x66: {  	[sflag:s24] =	ssyncset.done $0x0  }
0x67: {  	[sflag:s24] =	ssyncadd.s32 $0xFFFFE000  }
0x68: {  	[hbm4b:s14+s3] =	stream.linear.scatter [tilespmem:s23], [sflag:$0x5], $0x2000, $0x38;
	[tilespmem:$0x18F00] =	vst v63  }
0x69: {  	_ =	swait.ge [sflag:s24], $0x2000  }
0x6a: {  	[sflag:s24] =	ssyncset.done $0x0  }
0x6b: {  	[sflag:s24] =	ssyncadd.s32 $0xFFFFE000  }
0x6c: {  	[tilespmem:s23], [sflag:$0x5] =	stream.linear.gather [spmem:s15], $0x2000, $0x38;
	[tilespmem:$0x18F00] =	vst v63  }
0x6d: {  	_ =	swait.ge [sflag:s24], $0x2000  }
0x6e: {  	[sflag:s24] =	ssyncset.done $0x0  }
0x6f: {  	[sflag:s24] =	ssyncadd.s32 $0xFFFFE000  }
0x70: {  	[hbm4b:s16+s3] =	stream.linear.scatter [tilespmem:s23], [sflag:$0x5], $0x2000, $0x38;
	[tilespmem:$0x18F00] =	vst v63  }
0x71: {  	_ =	swait.ge [sflag:s24], $0x2000  }
0x72: {  	[sflag:s24] =	ssyncset.done $0x0  }
0x73: {  	[sflag:s24] =	ssyncadd.s32 $0xFFFFE000  }
0x74: {  	[tilespmem:s23], [sflag:$0x5] =	stream.linear.gather [spmem:s17], $0x2000, $0x38;
	[tilespmem:$0x18F00] =	vst v63  }
0x75: {  	_ =	swait.ge [sflag:s24], $0x2000  }
0x76: {  	[sflag:s24] =	ssyncset.done $0x0  }
0x77: {  	[sflag:s24] =	ssyncadd.s32 $0xFFFFE000  }
0x78: {  	[hbm4b:s18+s3] =	stream.linear.scatter [tilespmem:s23], [sflag:$0x5], $0x2000, $0x38;
	[tilespmem:$0x18F00] =	vst v63  }
0x79: {  	_ =	swait.ge [sflag:s24], $0x2000  }
0x7a: {  	[sflag:s24] =	ssyncset.done $0x0  }
0x7b: {  	[sflag:s24] =	ssyncadd.s32 $0xFFFFE000  }
0x7c: {  	[tilespmem:s23], [sflag:$0x5] =	stream.linear.gather [spmem:s19], $0x2000, $0x38;
	[tilespmem:$0x18F00] =	vst v63  }
0x7d: {  	_ =	swait.ge [sflag:s24], $0x2000  }
0x7e: {  	[sflag:s24] =	ssyncset.done $0x0  }
0x7f: {  	[sflag:s24] =	ssyncadd.s32 $0xFFFFE000  }
0x80: {  	[hbm4b:s20+s3] =	stream.linear.scatter [tilespmem:s23], [sflag:$0x5], $0x2000, $0x38;
	[tilespmem:$0x18F00] =	vst v63  }
0x81: {  	_ =	swait.ge [sflag:s24], $0x2000  }
0x82: {  	[sflag:s24] =	ssyncset.done $0x0  }
0x83: {  	[sflag:s24] =	ssyncadd.s32 $0xFFFFE000  }
0x84: {  	[tilespmem:s23], [sflag:$0x5] =	stream.linear.gather [spmem:s21], $0x2000, $0x38;
	[tilespmem:$0x18F00] =	vst v63  }
0x85: {  	_ =	swait.ge [sflag:s24], $0x2000  }
0x86: {  	[sflag:s24] =	ssyncset.done $0x0  }
0x87: {  	[sflag:s24] =	ssyncadd.s32 $0xFFFFE000  }
0x88: {  	[hbm4b:s22+s3] =	stream.linear.scatter [tilespmem:s23], [sflag:$0x5], $0x2000, $0x38;
	[tilespmem:$0x18F00] =	vst v63  }
0x89: {  	_ =	swait.ge [sflag:s24], $0x2000  }
0x8a: {  	s31 =	sadd.s32 $0x1, s31;
	s30 =	rddreg [dreg:$0x6]  }
0x8b: {  	p0 =	sne.s32 s31, s30  }
.Ltmp2:
0x8c: {  	_ = 	snop;
	(pc) =	sbr.rel @p0 .LBB2_1-.Ltmp2, $3  }
0x8d: {  	_ =	sdelay $0x1  }
0x8e: {  	[sflag:s24] =	ssyncset.done $0x0  }
0x8f: {  	[sflag:s24] =	ssyncadd.s32 $0xFFFFE000  }
0x90: {  	_ =	sfence.sel $0x180000  }
0x91: {  	[bflag:$0x0] =	sbarrier.arrive $0xFFFF  }
0x92: {  	_ =	strace $0x90000047  }
0x93: {  	s0 =	stileid.u32;
	[bflag:$0x2] =	sbarrier.arrive $0xFFFF  }
0x94: {  	p0 =	sne.s32 s0, $0x0;
	s0 =	rddreg [dreg:$0x2]  }
0x95: {  	s0 =	sadd.s32 @!p0 $0x100000, s0  }
0x96: {  	[sflag:s0] =	ssyncadd.tile.s32 @!p0 $0x1;
	_ =	shalt  }
.Lfunc_end2:
_tile_overlayer_lowered:
.L_overlay_start_2:
0x97: {  	(tag) =	ssettag $0x2  }
0x98: {  	s0 =	rddreg [dreg:$0x0];
	s2 =	stileid.u32  }
0x99: {  	s1 =	rddreg [dreg:$0x1];
	p0 =	sne.s32 s2, $0x0  }
0x9a: {  	s3 =	rddreg [dreg:$0x2];
	[bflag:$0x3] =	sbarrier.arrive $0xFFFF;
	s2 =	simm.s32 @!p0 $0x1C05  }
0x9b: {  	[timem:s3], [sflag:s2] =	dma.local @!p0 [hbm:s0], s1  }
0x9c: {  	s0 =	simm.s32 @!p0 $0x5  }
0x9d: {  	_ =	swait.ge @!p0 [sflag:s0], s1  }
0x9e: {  	s1 =	ssub.s32 @!p0 $0x0, s1;
	[sflag:s0] =	ssyncset.done @!p0 $0x0  }
0x9f: {  	[sflag:s0] =	ssyncadd.s32 @!p0 s1  }
0xa0: {  	[bflag:$0x3] =	sbarrier.arrive $0xFFFF  }
0xa1: {  	_ =	shalt  }

</sc_bundles>
